<compile_context>
chip_gen: v7x
topology: tpu7x:2x2x1
jax: 0.10.2.dev20260603
libtpu: 0.0.44.dev20260713+nightly
codegen_flags: <defaults>
</compile_context>

<pallas_src>
import functools

import jax
import jax.numpy as jnp
from jax import lax
from jax.experimental import pallas as pl
from jax.experimental.pallas import tpu as pltpu
from jax.experimental.pallas import tpu_sc as plsc

_NC = 2
_NS = 16
_NW = _NC * _NS
_CH = 80


def _sc_agg(y, src_r, dst_r, n_pad, compute_deg):
    n, h = y.shape
    nchunk = src_r.shape[1]
    rpt = n_pad // _NS
    assert rpt % _CH == 0

    mesh = plsc.VectorSubcoreMesh(
        core_axis_name="c", subcore_axis_name="s",
        num_cores=_NC, num_subcores=_NS)

    out_type = [jax.ShapeDtypeStruct((_NC, n_pad, h), jnp.float32)]
    scratch = [
        pltpu.VMEM((nchunk, _CH), jnp.int32),
        pltpu.VMEM((nchunk, _CH), jnp.int32),
        pltpu.VMEM((_CH, h), jnp.float32),
        pltpu.VMEM_SHARED((n_pad, h), jnp.float32),
        pltpu.SemaphoreType.DMA,
        pltpu.SemaphoreType.DMA,
    ]
    if compute_deg:
        out_type.append(jax.ShapeDtypeStruct((_NC, n_pad), jnp.float32))
        scratch += [
            pltpu.VMEM((_CH,), jnp.float32),
            pltpu.VMEM((rpt,), jnp.float32),
            pltpu.VMEM_SHARED((n_pad,), jnp.float32),
            pltpu.SemaphoreType.DMA,
        ]

    def body(y_hbm, src_hbm, dst_hbm, agg_out, *rest):
        if compute_deg:
            (deg_out, src_v, dst_v, rows_v, agg_sh, gsem, ssem,
             ones_v, zvec_v, deg_sh, dsem) = rest
        else:
            (src_v, dst_v, rows_v, agg_sh, gsem, ssem) = rest

        cid = lax.axis_index("c")
        sid = lax.axis_index("s")
        wid = sid * _NC + cid

        z16 = jnp.zeros((16,), jnp.float32)

        def zrow(i, _):
            def zcol(k, _):
                rows_v[i, pl.ds(k * 16, 16)] = z16
                return 0
            return lax.fori_loop(0, h // 16, zcol, 0)
        lax.fori_loop(0, _CH, zrow, 0)
        for r in range(rpt // _CH):
            pltpu.sync_copy(rows_v, agg_sh.at[pl.ds(sid * rpt + r * _CH, _CH)])

        if compute_deg:
            o16 = jnp.ones((16,), jnp.float32)
            def fones(i, _):
                ones_v[pl.ds(i * 16, 16)] = o16
                return 0
            lax.fori_loop(0, _CH // 16, fones, 0)
            def fz(i, _):
                zvec_v[pl.ds(i * 16, 16)] = z16
                return 0
            lax.fori_loop(0, rpt // 16, fz, 0)
            pltpu.sync_copy(zvec_v, deg_sh.at[pl.ds(sid * rpt, rpt)])

        pltpu.sync_copy(src_hbm.at[wid], src_v)
        pltpu.sync_copy(dst_hbm.at[wid], dst_v)

        plsc.subcore_barrier()

        def chunk(j, _):
            pltpu.async_copy(y_hbm.at[src_v.at[j]], rows_v, gsem).wait()
            pltpu.async_copy(rows_v, agg_sh.at[dst_v.at[j]], ssem,
                             add=True).wait()
            if compute_deg:
                pltpu.async_copy(ones_v, deg_sh.at[dst_v.at[j]], dsem,
                                 add=True).wait()
            return 0
        lax.fori_loop(0, nchunk, chunk, 0)

        plsc.subcore_barrier()

        pltpu.sync_copy(agg_sh.at[pl.ds(sid * rpt, rpt)],
                        agg_out.at[cid, pl.ds(sid * rpt, rpt)])
        if compute_deg:
            pltpu.sync_copy(deg_sh.at[pl.ds(sid * rpt, rpt)],
                            deg_out.at[cid, pl.ds(sid * rpt, rpt)])

    return pl.kernel(body, out_type=out_type, mesh=mesh,
                     scratch_types=scratch)(y, src_r, dst_r)


def _tc_transform(x, Wn, Ws, blk):
    n, d = x.shape
    h = Wn.shape[1]

    def body(x_ref, wn_ref, ws_ref, y_ref, z_ref):
        xb = x_ref[...]
        y_ref[...] = jnp.dot(xb, wn_ref[...], preferred_element_type=jnp.float32)
        z_ref[...] = jnp.dot(xb, ws_ref[...], preferred_element_type=jnp.float32)

    return pl.pallas_call(
        body,
        grid=(n // blk,),
        in_specs=[
            pl.BlockSpec((blk, d), lambda i: (i, 0)),
            pl.BlockSpec((d, h), lambda i: (0, 0)),
            pl.BlockSpec((d, h), lambda i: (0, 0)),
        ],
        out_specs=[
            pl.BlockSpec((blk, h), lambda i: (i, 0)),
            pl.BlockSpec((blk, h), lambda i: (i, 0)),
        ],
        out_shape=[
            jax.ShapeDtypeStruct((n, h), jnp.float32),
            jax.ShapeDtypeStruct((n, h), jnp.float32),
        ],
    )(x, Wn, Ws)


def _tc_mid(agg, deg3, z, b, Wn, Ws, n, blk):
    h = z.shape[1]

    def body(agg_ref, deg_ref, z_ref, b_ref, wn_ref, ws_ref, y_ref, z_out_ref):
        aggs = agg_ref[0] + agg_ref[1]
        degc = jnp.clip(deg_ref[0] + deg_ref[1], 1.0)
        hb = jax.nn.relu(aggs / degc + z_ref[...] + b_ref[...])
        y_ref[...] = jnp.dot(hb, wn_ref[...], preferred_element_type=jnp.float32)
        z_out_ref[...] = jnp.dot(hb, ws_ref[...], preferred_element_type=jnp.float32)

    return pl.pallas_call(
        body,
        grid=(n // blk,),
        in_specs=[
            pl.BlockSpec((_NC, blk, h), lambda i: (0, i, 0)),
            pl.BlockSpec((_NC, blk, 1), lambda i: (0, i, 0)),
            pl.BlockSpec((blk, h), lambda i: (i, 0)),
            pl.BlockSpec((1, h), lambda i: (0, 0)),
            pl.BlockSpec((h, h), lambda i: (0, 0)),
            pl.BlockSpec((h, h), lambda i: (0, 0)),
        ],
        out_specs=[
            pl.BlockSpec((blk, h), lambda i: (i, 0)),
            pl.BlockSpec((blk, h), lambda i: (i, 0)),
        ],
        out_shape=[
            jax.ShapeDtypeStruct((n, h), jnp.float32),
            jax.ShapeDtypeStruct((n, h), jnp.float32),
        ],
    )(agg, deg3, z, b.reshape(1, h), Wn, Ws)


def _tc_final(agg, deg3, z, b, W_out, b_out, n, blk):
    h = z.shape[1]
    nblk = n // blk

    def body(agg_ref, deg_ref, z_ref, b_ref, wo_ref, bo_ref, out_ref, acc_ref):
        i = pl.program_id(0)
        aggs = agg_ref[0] + agg_ref[1]
        degc = jnp.clip(deg_ref[0] + deg_ref[1], 1.0)
        hb = jax.nn.relu(aggs / degc + z_ref[...] + b_ref[...])
        psum = jnp.sum(hb, axis=0, keepdims=True)

        @pl.when(i == 0)
        def _():
            acc_ref[...] = jnp.zeros_like(acc_ref)
        acc_ref[...] += psum

        @pl.when(i == nblk - 1)
        def _():
            pooled = acc_ref[...] * (1.0 / n)
            out_ref[...] = jnp.dot(pooled, wo_ref[...],
                                   preferred_element_type=jnp.float32) + bo_ref[...]

    return pl.pallas_call(
        body,
        grid=(nblk,),
        in_specs=[
            pl.BlockSpec((_NC, blk, h), lambda i: (0, i, 0)),
            pl.BlockSpec((_NC, blk, 1), lambda i: (0, i, 0)),
            pl.BlockSpec((blk, h), lambda i: (i, 0)),
            pl.BlockSpec((1, h), lambda i: (0, 0)),
            pl.BlockSpec((h, 1), lambda i: (0, 0)),
            pl.BlockSpec((1, 1), lambda i: (0, 0)),
        ],
        out_specs=pl.BlockSpec((1, 1), lambda i: (0, 0)),
        out_shape=jax.ShapeDtypeStruct((1, 1), jnp.float32),
        scratch_shapes=[pltpu.VMEM((1, h), jnp.float32)],
    )(agg, deg3, z, b.reshape(1, h), W_out, b_out.reshape(1, 1))


def kernel(x, edge_index, Wn0, Ws0, b0, Wn1, Ws1, b1, W_out, b_out):
    n, d = x.shape
    h = Wn0.shape[1]
    e = edge_index.shape[1]

    n_pad = ((n + _NS * _CH - 1) // (_NS * _CH)) * (_NS * _CH)

    src = edge_index[0].astype(jnp.int32)
    dst = edge_index[1].astype(jnp.int32)

    e_pad = ((e + _NW * _CH - 1) // (_NW * _CH)) * (_NW * _CH)
    if e_pad != e:
        src = jnp.pad(src, (0, e_pad - e))
        dst = jnp.pad(dst, (0, e_pad - e), constant_values=n)
    nchunk = e_pad // (_NW * _CH)
    src_r = src.reshape(_NW, nchunk, _CH)
    dst_r = dst.reshape(_NW, nchunk, _CH)

    blk = max(b for b in range(8, 513, 8) if n % b == 0)

    y0, z0 = _tc_transform(x, Wn0, Ws0, blk)
    agg0, deg = _sc_agg(y0, src_r, dst_r, n_pad, compute_deg=True)
    deg3 = deg.reshape(_NC, n_pad, 1)
    y1, z1 = _tc_mid(agg0, deg3, z0, b0, Wn1, Ws1, n, blk)
    (agg1,) = _sc_agg(y1, src_r, dst_r, n_pad, compute_deg=False)
    out = _tc_final(agg1, deg3, z1, b1, W_out, b_out, n, blk)
    return out.reshape(1)

# --- scband reference (transcript-rebuilt; emitter-appended) ---
"""Pipeline reference for scband-graph-sageregressor-4243427688731 (READ-ONLY COPY).

The authoritative reference and input builder live on the scoring server;
editing this copy changes nothing except your own understanding.
"""

import jax, jax.numpy as jnp
import numpy as np

N = 10000
E = 320000
D = 128
H = 128


def setup_inputs(seed: int = 0) -> dict:
    key = jax.random.key(seed)
    ks = jax.random.split(key, 12)
    x = jax.random.normal(ks[0], (N, D), dtype=jnp.float32)
    edge_index = jax.random.randint(ks[1], (2, E), 0, N)
    s0 = 1.0 / np.sqrt(D)
    s1 = 1.0 / np.sqrt(H)
    Wn0 = jax.random.uniform(ks[2], (D, H), jnp.float32, -s0, s0)
    Ws0 = jax.random.uniform(ks[3], (D, H), jnp.float32, -s0, s0)
    b0 = jax.random.uniform(ks[4], (H,), jnp.float32, -s0, s0)
    Wn1 = jax.random.uniform(ks[5], (H, H), jnp.float32, -s1, s1)
    Ws1 = jax.random.uniform(ks[6], (H, H), jnp.float32, -s1, s1)
    b1 = jax.random.uniform(ks[7], (H,), jnp.float32, -s1, s1)
    W_out = jax.random.uniform(ks[8], (H, 1), jnp.float32, -s1, s1)
    b_out = jax.random.uniform(ks[9], (1,), jnp.float32, -s1, s1)
    return {"x": x, "edge_index": edge_index, "Wn0": Wn0, "Ws0": Ws0, "b0": b0,
            "Wn1": Wn1, "Ws1": Ws1, "b1": b1, "W_out": W_out, "b_out": b_out}


def _sage_layer(h, src, dst, Wn, Ws, b):
    # PyG SAGEConv: out = lin_l(mean_aggr(x_j)) + lin_r(x_i)
    msgs = h[src]
    agg = jax.ops.segment_sum(msgs, dst, num_segments=N)
    deg = jax.ops.segment_sum(jnp.ones((src.shape[0], 1), jnp.float32), dst, num_segments=N)
    mean = agg / jnp.clip(deg, 1.0)
    return mean @ Wn + h @ Ws + b


def reference(x, edge_index, Wn0, Ws0, b0, Wn1, Ws1, b1, W_out, b_out):
    src = edge_index[0]
    dst = edge_index[1]
    h = jax.nn.relu(_sage_layer(x, src, dst, Wn0, Ws0, b0))
    h = jax.nn.relu(_sage_layer(h, src, dst, Wn1, Ws1, b1))
    # batch defaults to all-zeros -> single graph; global_mean_pool == mean over nodes
    hg = jnp.mean(h, axis=0, keepdims=True)
    out = (hg @ W_out + b_out)
    return jnp.squeeze(out, axis=-1)

if __name__ == "__main__":
    import jax
    _d = setup_inputs()
    print(jax.jit(kernel)(*tuple(_d.values())))

</pallas_src>

<mosaic_0001>
#map = affine_map<(d0, d1) -> (0, 0)>
#map1 = affine_map<(d0, d1) -> (0, 0, 0)>
module attributes {stable_mosaic.version = 14 : i64} {
  func.func @body(%arg0: i32, %arg1: i32, %arg2: memref<10000x128xf32, #tpu.memory_space<hbm>>, %arg3: memref<32x125x80xi32, #tpu.memory_space<hbm>>, %arg4: memref<32x125x80xi32, #tpu.memory_space<hbm>>, %arg5: memref<2x10240x128xf32, #tpu.memory_space<hbm>>, %arg6: memref<125x80xi32, #tpu.memory_space<vmem>>, %arg7: memref<125x80xi32, #tpu.memory_space<vmem>>, %arg8: memref<80x128xf32, #tpu.memory_space<vmem>>, %arg9: memref<10240x128xf32, #tpu.memory_space<vmem_shared>>, %arg10: memref<!tpu.dma_semaphore, #tpu.memory_space<semaphore_mem>>, %arg11: memref<!tpu.dma_semaphore, #tpu.memory_space<semaphore_mem>>) attributes {dimension_semantics = [#tpu.dimension_semantics<core_parallel>, #tpu.dimension_semantics<subcore_parallel>], iteration_bounds = array<i64: 2, 16>, scalar_prefetch = 0 : i64, scratch_operands = 6 : i64, tpu.core_type = #tpu.core_type<sc_vector_subcore>, window_params = [{transform_indices = #map}, {transform_indices = #map1}, {transform_indices = #map1}, {transform_indices = #map1}]} {
    %mul3A = arith.constant 2 : i32
    %mul3A_0 = arith.muli %arg1, %mul3A : i32
    %add3A = arith.addi %mul3A_0, %arg0 : i32
    %broadcast_in_dim3A = arith.constant 0.000000e+00 : f32
    %broadcast_in_dim3A_1 = vector.broadcast %broadcast_in_dim3A : f32 to vector<16xf32>
    %scan3A = arith.constant 0 : i32
    %scan3A_2 = arith.constant 0 : i32
    %scan3A_3 = arith.constant 80 : i32
    %scan3A_4 = arith.addi %scan3A_2, %scan3A_3 : i32
    %scan3A_5 = arith.constant 1 : i32
    %scan3A_6 = scf.for %scan3A_52 = %scan3A_2 to %scan3A_4 step %scan3A_5 iter_args(%scan3A_53 = %scan3A) -> (i32)  : i32 {
      %scan3A_54 = arith.constant 0 : i32
      %scan3A_55 = arith.constant 0 : i32
      %scan3A_56 = arith.constant 8 : i32
      %scan3A_57 = arith.addi %scan3A_55, %scan3A_56 : i32
      %scan3A_58 = arith.constant 1 : i32
      %scan3A_59 = scf.for %scan3A_61 = %scan3A_55 to %scan3A_57 step %scan3A_58 iter_args(%scan3A_62 = %scan3A_54) -> (i32)  : i32 {
        %mul3A_63 = arith.constant 16 : i32
        %mul3A_64 = arith.muli %scan3A_61, %mul3A_63 : i32
        %swap3A = arith.index_cast %scan3A_52 : i32 to index
        %swap3A_65 = arith.index_cast %mul3A_64 : i32 to index
        %swap3A_66 = tpu.vector_load %arg8[%swap3A, %swap3A_65] {strides = array<i32>} : memref<80x128xf32, #tpu.memory_space<vmem>>, vector<1x16xf32>,
        %swap3A_67 = vector.shape_cast %swap3A_66 : vector<1x16xf32> to vector<16xf32>
        %swap3A_68 = vector.shape_cast %broadcast_in_dim3A_1 : vector<16xf32> to vector<1x16xf32>
        tpu.vector_store %arg8[%swap3A, %swap3A_65], %swap3A_68 {strides = array<i32>} : memref<80x128xf32, #tpu.memory_space<vmem>>, vector<1x16xf32>,
        %scan3A_69 = arith.constant 0 : i32
        scf.yield %scan3A_69 : i32
      }
      %scan3A_60 = arith.constant 8 : i32
      scf.yield %scan3A_59 : i32
    }
    %scan3A_7 = arith.constant 80 : i32
    %mul3A_8 = arith.constant 640 : i32
    %mul3A_9 = arith.muli %arg1, %mul3A_8 : i32
    %add3A_10 = arith.constant 0 : i32
    %add3A_11 = arith.addi %mul3A_9, %add3A_10 : i32
    "tpu.region"() ({
      %run_scoped3A = tpu.sem_alloc : memref<!tpu.dma_semaphore, #tpu.memory_space<semaphore_mem>>
      %dma_start3A = arith.constant 0 : i32
      %dma_start3A_52 = tpu.memref_slice %arg9[%add3A_11, %dma_start3A] : memref<10240x128xf32, #tpu.memory_space<vmem_shared>> -> memref<80x128xf32, #tpu.memory_space<vmem_shared>>
      %dma_start3A_53 = arith.constant 0 : i32
      %dma_start3A_54 = tpu.memref_slice %arg9[%add3A_11, %dma_start3A_53] : memref<10240x128xf32, #tpu.memory_space<vmem_shared>> -> memref<80x128xf32, #tpu.memory_space<vmem_shared>>
      tpu.enqueue_dma source(%arg8 : memref<80x128xf32, #tpu.memory_space<vmem>>) target(%dma_start3A_54 : memref<80x128xf32, #tpu.memory_space<vmem_shared>>) target_semaphore(%run_scoped3A : memref<!tpu.dma_semaphore, #tpu.memory_space<semaphore_mem>>)
      %dma_wait3A = arith.constant 0 : i32
      %dma_wait3A_55 = tpu.memref_slice %arg9[%add3A_11, %dma_wait3A] : memref<10240x128xf32, #tpu.memory_space<vmem_shared>> -> memref<80x128xf32, #tpu.memory_space<vmem_shared>>
      %dma_wait3A_56 = arith.constant 0 : i32
      %dma_wait3A_57 = tpu.memref_slice %arg9[%add3A_11, %dma_wait3A_56] : memref<10240x128xf32, #tpu.memory_space<vmem_shared>> -> memref<80x128xf32, #tpu.memory_space<vmem_shared>>
      tpu.wait_dma2 semaphore(%run_scoped3A : memref<!tpu.dma_semaphore, #tpu.memory_space<semaphore_mem>>) src(%arg8 : memref<80x128xf32, #tpu.memory_space<vmem>>) dst(%dma_wait3A_57 : memref<80x128xf32, #tpu.memory_space<vmem_shared>>)
      tpu.yield
    }) : () -> ()
    %mul3A_12 = arith.constant 640 : i32
    %mul3A_13 = arith.muli %arg1, %mul3A_12 : i32
    %add3A_14 = arith.constant 80 : i32
    %add3A_15 = arith.addi %mul3A_13, %add3A_14 : i32
    "tpu.region"() ({
      %run_scoped3A = tpu.sem_alloc : memref<!tpu.dma_semaphore, #tpu.memory_space<semaphore_mem>>
      %dma_start3A = arith.constant 0 : i32
      %dma_start3A_52 = tpu.memref_slice %arg9[%add3A_15, %dma_start3A] : memref<10240x128xf32, #tpu.memory_space<vmem_shared>> -> memref<80x128xf32, #tpu.memory_space<vmem_shared>>
      %dma_start3A_53 = arith.constant 0 : i32
      %dma_start3A_54 = tpu.memref_slice %arg9[%add3A_15, %dma_start3A_53] : memref<10240x128xf32, #tpu.memory_space<vmem_shared>> -> memref<80x128xf32, #tpu.memory_space<vmem_shared>>
      tpu.enqueue_dma source(%arg8 : memref<80x128xf32, #tpu.memory_space<vmem>>) target(%dma_start3A_54 : memref<80x128xf32, #tpu.memory_space<vmem_shared>>) target_semaphore(%run_scoped3A : memref<!tpu.dma_semaphore, #tpu.memory_space<semaphore_mem>>)
      %dma_wait3A = arith.constant 0 : i32
      %dma_wait3A_55 = tpu.memref_slice %arg9[%add3A_15, %dma_wait3A] : memref<10240x128xf32, #tpu.memory_space<vmem_shared>> -> memref<80x128xf32, #tpu.memory_space<vmem_shared>>
      %dma_wait3A_56 = arith.constant 0 : i32
      %dma_wait3A_57 = tpu.memref_slice %arg9[%add3A_15, %dma_wait3A_56] : memref<10240x128xf32, #tpu.memory_space<vmem_shared>> -> memref<80x128xf32, #tpu.memory_space<vmem_shared>>
      tpu.wait_dma2 semaphore(%run_scoped3A : memref<!tpu.dma_semaphore, #tpu.memory_space<semaphore_mem>>) src(%arg8 : memref<80x128xf32, #tpu.memory_space<vmem>>) dst(%dma_wait3A_57 : memref<80x128xf32, #tpu.memory_space<vmem_shared>>)
      tpu.yield
    }) : () -> ()
    %mul3A_16 = arith.constant 640 : i32
    %mul3A_17 = arith.muli %arg1, %mul3A_16 : i32
    %add3A_18 = arith.constant 160 : i32
    %add3A_19 = arith.addi %mul3A_17, %add3A_18 : i32
    "tpu.region"() ({
      %run_scoped3A = tpu.sem_alloc : memref<!tpu.dma_semaphore, #tpu.memory_space<semaphore_mem>>
      %dma_start3A = arith.constant 0 : i32
      %dma_start3A_52 = tpu.memref_slice %arg9[%add3A_19, %dma_start3A] : memref<10240x128xf32, #tpu.memory_space<vmem_shared>> -> memref<80x128xf32, #tpu.memory_space<vmem_shared>>
      %dma_start3A_53 = arith.constant 0 : i32
      %dma_start3A_54 = tpu.memref_slice %arg9[%add3A_19, %dma_start3A_53] : memref<10240x128xf32, #tpu.memory_space<vmem_shared>> -> memref<80x128xf32, #tpu.memory_space<vmem_shared>>
      tpu.enqueue_dma source(%arg8 : memref<80x128xf32, #tpu.memory_space<vmem>>) target(%dma_start3A_54 : memref<80x128xf32, #tpu.memory_space<vmem_shared>>) target_semaphore(%run_scoped3A : memref<!tpu.dma_semaphore, #tpu.memory_space<semaphore_mem>>)
      %dma_wait3A = arith.constant 0 : i32
      %dma_wait3A_55 = tpu.memref_slice %arg9[%add3A_19, %dma_wait3A] : memref<10240x128xf32, #tpu.memory_space<vmem_shared>> -> memref<80x128xf32, #tpu.memory_space<vmem_shared>>
      %dma_wait3A_56 = arith.constant 0 : i32
      %dma_wait3A_57 = tpu.memref_slice %arg9[%add3A_19, %dma_wait3A_56] : memref<10240x128xf32, #tpu.memory_space<vmem_shared>> -> memref<80x128xf32, #tpu.memory_space<vmem_shared>>
      tpu.wait_dma2 semaphore(%run_scoped3A : memref<!tpu.dma_semaphore, #tpu.memory_space<semaphore_mem>>) src(%arg8 : memref<80x128xf32, #tpu.memory_space<vmem>>) dst(%dma_wait3A_57 : memref<80x128xf32, #tpu.memory_space<vmem_shared>>)
      tpu.yield
    }) : () -> ()
    %mul3A_20 = arith.constant 640 : i32
    %mul3A_21 = arith.muli %arg1, %mul3A_20 : i32
    %add3A_22 = arith.constant 240 : i32
    %add3A_23 = arith.addi %mul3A_21, %add3A_22 : i32
    "tpu.region"() ({
      %run_scoped3A = tpu.sem_alloc : memref<!tpu.dma_semaphore, #tpu.memory_space<semaphore_mem>>
      %dma_start3A = arith.constant 0 : i32
      %dma_start3A_52 = tpu.memref_slice %arg9[%add3A_23, %dma_start3A] : memref<10240x128xf32, #tpu.memory_space<vmem_shared>> -> memref<80x128xf32, #tpu.memory_space<vmem_shared>>
      %dma_start3A_53 = arith.constant 0 : i32
      %dma_start3A_54 = tpu.memref_slice %arg9[%add3A_23, %dma_start3A_53] : memref<10240x128xf32, #tpu.memory_space<vmem_shared>> -> memref<80x128xf32, #tpu.memory_space<vmem_shared>>
      tpu.enqueue_dma source(%arg8 : memref<80x128xf32, #tpu.memory_space<vmem>>) target(%dma_start3A_54 : memref<80x128xf32, #tpu.memory_space<vmem_shared>>) target_semaphore(%run_scoped3A : memref<!tpu.dma_semaphore, #tpu.memory_space<semaphore_mem>>)
      %dma_wait3A = arith.constant 0 : i32
      %dma_wait3A_55 = tpu.memref_slice %arg9[%add3A_23, %dma_wait3A] : memref<10240x128xf32, #tpu.memory_space<vmem_shared>> -> memref<80x128xf32, #tpu.memory_space<vmem_shared>>
      %dma_wait3A_56 = arith.constant 0 : i32
      %dma_wait3A_57 = tpu.memref_slice %arg9[%add3A_23, %dma_wait3A_56] : memref<10240x128xf32, #tpu.memory_space<vmem_shared>> -> memref<80x128xf32, #tpu.memory_space<vmem_shared>>
      tpu.wait_dma2 semaphore(%run_scoped3A : memref<!tpu.dma_semaphore, #tpu.memory_space<semaphore_mem>>) src(%arg8 : memref<80x128xf32, #tpu.memory_space<vmem>>) dst(%dma_wait3A_57 : memref<80x128xf32, #tpu.memory_space<vmem_shared>>)
      tpu.yield
    }) : () -> ()
    %mul3A_24 = arith.constant 640 : i32
    %mul3A_25 = arith.muli %arg1, %mul3A_24 : i32
    %add3A_26 = arith.constant 320 : i32
    %add3A_27 = arith.addi %mul3A_25, %add3A_26 : i32
    "tpu.region"() ({
      %run_scoped3A = tpu.sem_alloc : memref<!tpu.dma_semaphore, #tpu.memory_space<semaphore_mem>>
      %dma_start3A = arith.constant 0 : i32
      %dma_start3A_52 = tpu.memref_slice %arg9[%add3A_27, %dma_start3A] : memref<10240x128xf32, #tpu.memory_space<vmem_shared>> -> memref<80x128xf32, #tpu.memory_space<vmem_shared>>
      %dma_start3A_53 = arith.constant 0 : i32
      %dma_start3A_54 = tpu.memref_slice %arg9[%add3A_27, %dma_start3A_53] : memref<10240x128xf32, #tpu.memory_space<vmem_shared>> -> memref<80x128xf32, #tpu.memory_space<vmem_shared>>
      tpu.enqueue_dma source(%arg8 : memref<80x128xf32, #tpu.memory_space<vmem>>) target(%dma_start3A_54 : memref<80x128xf32, #tpu.memory_space<vmem_shared>>) target_semaphore(%run_scoped3A : memref<!tpu.dma_semaphore, #tpu.memory_space<semaphore_mem>>)
      %dma_wait3A = arith.constant 0 : i32
      %dma_wait3A_55 = tpu.memref_slice %arg9[%add3A_27, %dma_wait3A] : memref<10240x128xf32, #tpu.memory_space<vmem_shared>> -> memref<80x128xf32, #tpu.memory_space<vmem_shared>>
      %dma_wait3A_56 = arith.constant 0 : i32
      %dma_wait3A_57 = tpu.memref_slice %arg9[%add3A_27, %dma_wait3A_56] : memref<10240x128xf32, #tpu.memory_space<vmem_shared>> -> memref<80x128xf32, #tpu.memory_space<vmem_shared>>
      tpu.wait_dma2 semaphore(%run_scoped3A : memref<!tpu.dma_semaphore, #tpu.memory_space<semaphore_mem>>) src(%arg8 : memref<80x128xf32, #tpu.memory_space<vmem>>) dst(%dma_wait3A_57 : memref<80x128xf32, #tpu.memory_space<vmem_shared>>)
      tpu.yield
    }) : () -> ()
    %mul3A_28 = arith.constant 640 : i32
    %mul3A_29 = arith.muli %arg1, %mul3A_28 : i32
    %add3A_30 = arith.constant 400 : i32
    %add3A_31 = arith.addi %mul3A_29, %add3A_30 : i32
    "tpu.region"() ({
      %run_scoped3A = tpu.sem_alloc : memref<!tpu.dma_semaphore, #tpu.memory_space<semaphore_mem>>
      %dma_start3A = arith.constant 0 : i32
      %dma_start3A_52 = tpu.memref_slice %arg9[%add3A_31, %dma_start3A] : memref<10240x128xf32, #tpu.memory_space<vmem_shared>> -> memref<80x128xf32, #tpu.memory_space<vmem_shared>>
      %dma_start3A_53 = arith.constant 0 : i32
      %dma_start3A_54 = tpu.memref_slice %arg9[%add3A_31, %dma_start3A_53] : memref<10240x128xf32, #tpu.memory_space<vmem_shared>> -> memref<80x128xf32, #tpu.memory_space<vmem_shared>>
      tpu.enqueue_dma source(%arg8 : memref<80x128xf32, #tpu.memory_space<vmem>>) target(%dma_start3A_54 : memref<80x128xf32, #tpu.memory_space<vmem_shared>>) target_semaphore(%run_scoped3A : memref<!tpu.dma_semaphore, #tpu.memory_space<semaphore_mem>>)
      %dma_wait3A = arith.constant 0 : i32
      %dma_wait3A_55 = tpu.memref_slice %arg9[%add3A_31, %dma_wait3A] : memref<10240x128xf32, #tpu.memory_space<vmem_shared>> -> memref<80x128xf32, #tpu.memory_space<vmem_shared>>
      %dma_wait3A_56 = arith.constant 0 : i32
      %dma_wait3A_57 = tpu.memref_slice %arg9[%add3A_31, %dma_wait3A_56] : memref<10240x128xf32, #tpu.memory_space<vmem_shared>> -> memref<80x128xf32, #tpu.memory_space<vmem_shared>>
      tpu.wait_dma2 semaphore(%run_scoped3A : memref<!tpu.dma_semaphore, #tpu.memory_space<semaphore_mem>>) src(%arg8 : memref<80x128xf32, #tpu.memory_space<vmem>>) dst(%dma_wait3A_57 : memref<80x128xf32, #tpu.memory_space<vmem_shared>>)
      tpu.yield
    }) : () -> ()
    %mul3A_32 = arith.constant 640 : i32
    %mul3A_33 = arith.muli %arg1, %mul3A_32 : i32
    %add3A_34 = arith.constant 480 : i32
    %add3A_35 = arith.addi %mul3A_33, %add3A_34 : i32
    "tpu.region"() ({
      %run_scoped3A = tpu.sem_alloc : memref<!tpu.dma_semaphore, #tpu.memory_space<semaphore_mem>>
      %dma_start3A = arith.constant 0 : i32
      %dma_start3A_52 = tpu.memref_slice %arg9[%add3A_35, %dma_start3A] : memref<10240x128xf32, #tpu.memory_space<vmem_shared>> -> memref<80x128xf32, #tpu.memory_space<vmem_shared>>
      %dma_start3A_53 = arith.constant 0 : i32
      %dma_start3A_54 = tpu.memref_slice %arg9[%add3A_35, %dma_start3A_53] : memref<10240x128xf32, #tpu.memory_space<vmem_shared>> -> memref<80x128xf32, #tpu.memory_space<vmem_shared>>
      tpu.enqueue_dma source(%arg8 : memref<80x128xf32, #tpu.memory_space<vmem>>) target(%dma_start3A_54 : memref<80x128xf32, #tpu.memory_space<vmem_shared>>) target_semaphore(%run_scoped3A : memref<!tpu.dma_semaphore, #tpu.memory_space<semaphore_mem>>)
      %dma_wait3A = arith.constant 0 : i32
      %dma_wait3A_55 = tpu.memref_slice %arg9[%add3A_35, %dma_wait3A] : memref<10240x128xf32, #tpu.memory_space<vmem_shared>> -> memref<80x128xf32, #tpu.memory_space<vmem_shared>>
      %dma_wait3A_56 = arith.constant 0 : i32
      %dma_wait3A_57 = tpu.memref_slice %arg9[%add3A_35, %dma_wait3A_56] : memref<10240x128xf32, #tpu.memory_space<vmem_shared>> -> memref<80x128xf32, #tpu.memory_space<vmem_shared>>
      tpu.wait_dma2 semaphore(%run_scoped3A : memref<!tpu.dma_semaphore, #tpu.memory_space<semaphore_mem>>) src(%arg8 : memref<80x128xf32, #tpu.memory_space<vmem>>) dst(%dma_wait3A_57 : memref<80x128xf32, #tpu.memory_space<vmem_shared>>)
      tpu.yield
    }) : () -> ()
    %mul3A_36 = arith.constant 640 : i32
    %mul3A_37 = arith.muli %arg1, %mul3A_36 : i32
    %add3A_38 = arith.constant 560 : i32
    %add3A_39 = arith.addi %mul3A_37, %add3A_38 : i32
    "tpu.region"() ({
      %run_scoped3A = tpu.sem_alloc : memref<!tpu.dma_semaphore, #tpu.memory_space<semaphore_mem>>
      %dma_start3A = arith.constant 0 : i32
      %dma_start3A_52 = tpu.memref_slice %arg9[%add3A_39, %dma_start3A] : memref<10240x128xf32, #tpu.memory_space<vmem_shared>> -> memref<80x128xf32, #tpu.memory_space<vmem_shared>>
      %dma_start3A_53 = arith.constant 0 : i32
      %dma_start3A_54 = tpu.memref_slice %arg9[%add3A_39, %dma_start3A_53] : memref<10240x128xf32, #tpu.memory_space<vmem_shared>> -> memref<80x128xf32, #tpu.memory_space<vmem_shared>>
      tpu.enqueue_dma source(%arg8 : memref<80x128xf32, #tpu.memory_space<vmem>>) target(%dma_start3A_54 : memref<80x128xf32, #tpu.memory_space<vmem_shared>>) target_semaphore(%run_scoped3A : memref<!tpu.dma_semaphore, #tpu.memory_space<semaphore_mem>>)
      %dma_wait3A = arith.constant 0 : i32
      %dma_wait3A_55 = tpu.memref_slice %arg9[%add3A_39, %dma_wait3A] : memref<10240x128xf32, #tpu.memory_space<vmem_shared>> -> memref<80x128xf32, #tpu.memory_space<vmem_shared>>
      %dma_wait3A_56 = arith.constant 0 : i32
      %dma_wait3A_57 = tpu.memref_slice %arg9[%add3A_39, %dma_wait3A_56] : memref<10240x128xf32, #tpu.memory_space<vmem_shared>> -> memref<80x128xf32, #tpu.memory_space<vmem_shared>>
      tpu.wait_dma2 semaphore(%run_scoped3A : memref<!tpu.dma_semaphore, #tpu.memory_space<semaphore_mem>>) src(%arg8 : memref<80x128xf32, #tpu.memory_space<vmem>>) dst(%dma_wait3A_57 : memref<80x128xf32, #tpu.memory_space<vmem_shared>>)
      tpu.yield
    }) : () -> ()
    "tpu.region"() ({
      %run_scoped3A = tpu.sem_alloc : memref<!tpu.dma_semaphore, #tpu.memory_space<semaphore_mem>>
      %dma_start3A = arith.constant 0 : i32
      %dma_start3A_52 = arith.constant 0 : i32
      %dma_start3A_53 = tpu.memref_slice %arg3[%add3A, %dma_start3A, %dma_start3A_52] : memref<32x125x80xi32, #tpu.memory_space<hbm>> -> memref<1x125x80xi32, #tpu.memory_space<hbm>>
      %dma_start3A_54 = tpu.memref_squeeze %dma_start3A_53 : memref<1x125x80xi32, #tpu.memory_space<hbm>> -> memref<125x80xi32, #tpu.memory_space<hbm>>
      %dma_start3A_55 = arith.constant 0 : i32
      %dma_start3A_56 = arith.constant 0 : i32
      %dma_start3A_57 = tpu.memref_slice %arg3[%add3A, %dma_start3A_55, %dma_start3A_56] : memref<32x125x80xi32, #tpu.memory_space<hbm>> -> memref<1x125x80xi32, #tpu.memory_space<hbm>>
      %dma_start3A_58 = tpu.memref_squeeze %dma_start3A_57 : memref<1x125x80xi32, #tpu.memory_space<hbm>> -> memref<125x80xi32, #tpu.memory_space<hbm>>
      tpu.enqueue_dma source(%dma_start3A_58 : memref<125x80xi32, #tpu.memory_space<hbm>>) target(%arg6 : memref<125x80xi32, #tpu.memory_space<vmem>>) target_semaphore(%run_scoped3A : memref<!tpu.dma_semaphore, #tpu.memory_space<semaphore_mem>>)
      %dma_wait3A = arith.constant 0 : i32
      %dma_wait3A_59 = arith.constant 0 : i32
      %dma_wait3A_60 = tpu.memref_slice %arg3[%add3A, %dma_wait3A, %dma_wait3A_59] : memref<32x125x80xi32, #tpu.memory_space<hbm>> -> memref<1x125x80xi32, #tpu.memory_space<hbm>>
      %dma_wait3A_61 = tpu.memref_squeeze %dma_wait3A_60 : memref<1x125x80xi32, #tpu.memory_space<hbm>> -> memref<125x80xi32, #tpu.memory_space<hbm>>
      %dma_wait3A_62 = arith.constant 0 : i32
      %dma_wait3A_63 = arith.constant 0 : i32
      %dma_wait3A_64 = tpu.memref_slice %arg3[%add3A, %dma_wait3A_62, %dma_wait3A_63] : memref<32x125x80xi32, #tpu.memory_space<hbm>> -> memref<1x125x80xi32, #tpu.memory_space<hbm>>
      %dma_wait3A_65 = tpu.memref_squeeze %dma_wait3A_64 : memref<1x125x80xi32, #tpu.memory_space<hbm>> -> memref<125x80xi32, #tpu.memory_space<hbm>>
      tpu.wait_dma2 semaphore(%run_scoped3A : memref<!tpu.dma_semaphore, #tpu.memory_space<semaphore_mem>>) src(%dma_wait3A_65 : memref<125x80xi32, #tpu.memory_space<hbm>>) dst(%arg6 : memref<125x80xi32, #tpu.memory_space<vmem>>)
      tpu.yield
    }) : () -> ()
    "tpu.region"() ({
      %run_scoped3A = tpu.sem_alloc : memref<!tpu.dma_semaphore, #tpu.memory_space<semaphore_mem>>
      %dma_start3A = arith.constant 0 : i32
      %dma_start3A_52 = arith.constant 0 : i32
      %dma_start3A_53 = tpu.memref_slice %arg4[%add3A, %dma_start3A, %dma_start3A_52] : memref<32x125x80xi32, #tpu.memory_space<hbm>> -> memref<1x125x80xi32, #tpu.memory_space<hbm>>
      %dma_start3A_54 = tpu.memref_squeeze %dma_start3A_53 : memref<1x125x80xi32, #tpu.memory_space<hbm>> -> memref<125x80xi32, #tpu.memory_space<hbm>>
      %dma_start3A_55 = arith.constant 0 : i32
      %dma_start3A_56 = arith.constant 0 : i32
      %dma_start3A_57 = tpu.memref_slice %arg4[%add3A, %dma_start3A_55, %dma_start3A_56] : memref<32x125x80xi32, #tpu.memory_space<hbm>> -> memref<1x125x80xi32, #tpu.memory_space<hbm>>
      %dma_start3A_58 = tpu.memref_squeeze %dma_start3A_57 : memref<1x125x80xi32, #tpu.memory_space<hbm>> -> memref<125x80xi32, #tpu.memory_space<hbm>>
      tpu.enqueue_dma source(%dma_start3A_58 : memref<125x80xi32, #tpu.memory_space<hbm>>) target(%arg7 : memref<125x80xi32, #tpu.memory_space<vmem>>) target_semaphore(%run_scoped3A : memref<!tpu.dma_semaphore, #tpu.memory_space<semaphore_mem>>)
      %dma_wait3A = arith.constant 0 : i32
      %dma_wait3A_59 = arith.constant 0 : i32
      %dma_wait3A_60 = tpu.memref_slice %arg4[%add3A, %dma_wait3A, %dma_wait3A_59] : memref<32x125x80xi32, #tpu.memory_space<hbm>> -> memref<1x125x80xi32, #tpu.memory_space<hbm>>
      %dma_wait3A_61 = tpu.memref_squeeze %dma_wait3A_60 : memref<1x125x80xi32, #tpu.memory_space<hbm>> -> memref<125x80xi32, #tpu.memory_space<hbm>>
      %dma_wait3A_62 = arith.constant 0 : i32
      %dma_wait3A_63 = arith.constant 0 : i32
      %dma_wait3A_64 = tpu.memref_slice %arg4[%add3A, %dma_wait3A_62, %dma_wait3A_63] : memref<32x125x80xi32, #tpu.memory_space<hbm>> -> memref<1x125x80xi32, #tpu.memory_space<hbm>>
      %dma_wait3A_65 = tpu.memref_squeeze %dma_wait3A_64 : memref<1x125x80xi32, #tpu.memory_space<hbm>> -> memref<125x80xi32, #tpu.memory_space<hbm>>
      tpu.wait_dma2 semaphore(%run_scoped3A : memref<!tpu.dma_semaphore, #tpu.memory_space<semaphore_mem>>) src(%dma_wait3A_65 : memref<125x80xi32, #tpu.memory_space<hbm>>) dst(%arg7 : memref<125x80xi32, #tpu.memory_space<vmem>>)
      tpu.yield
    }) : () -> ()
    %barrier3A = arith.constant 0 : index
    tpu.barrier barrier_id(%barrier3A)
    %scan3A_40 = arith.constant 0 : i32
    %scan3A_41 = arith.constant 0 : i32
    %scan3A_42 = arith.constant 125 : i32
    %scan3A_43 = arith.addi %scan3A_41, %scan3A_42 : i32
    %scan3A_44 = arith.constant 1 : i32
    %scan3A_45 = scf.for %scan3A_52 = %scan3A_41 to %scan3A_43 step %scan3A_44 iter_args(%scan3A_53 = %scan3A_40) -> (i32)  : i32 {
      %dma_start3A = arith.constant 0 : i32
      %dma_start3A_54 = tpu.memref_slice %arg6[%scan3A_52, %dma_start3A] : memref<125x80xi32, #tpu.memory_space<vmem>> -> memref<1x80xi32, #tpu.memory_space<vmem>>
      %dma_start3A_55 = tpu.memref_squeeze %dma_start3A_54 : memref<1x80xi32, #tpu.memory_space<vmem>> -> memref<80xi32, #tpu.memory_space<vmem>>
      %dma_start3A_56 = arith.constant 0 : i32
      %dma_start3A_57 = arith.constant 0 : i32
      %dma_start3A_58 = tpu.memref_slice %arg2[%dma_start3A_56, %dma_start3A_57] : memref<10000x128xf32, #tpu.memory_space<hbm>> -> memref<10000x128xf32, #tpu.memory_space<hbm>>
      tpu.enqueue_indirect_dma source(%dma_start3A_58 : memref<10000x128xf32, #tpu.memory_space<hbm>>) target(%arg8 : memref<80x128xf32, #tpu.memory_space<vmem>>) offsets(%dma_start3A_55 : memref<80xi32, #tpu.memory_space<vmem>>) semaphore(%arg10 : memref<!tpu.dma_semaphore, #tpu.memory_space<semaphore_mem>>)
      %dma_wait3A = arith.constant 0 : i32
      %dma_wait3A_59 = tpu.memref_slice %arg6[%scan3A_52, %dma_wait3A] : memref<125x80xi32, #tpu.memory_space<vmem>> -> memref<1x80xi32, #tpu.memory_space<vmem>>
      %dma_wait3A_60 = tpu.memref_squeeze %dma_wait3A_59 : memref<1x80xi32, #tpu.memory_space<vmem>> -> memref<80xi32, #tpu.memory_space<vmem>>
      %dma_wait3A_61 = arith.constant 0 : i32
      %dma_wait3A_62 = arith.constant 0 : i32
      %dma_wait3A_63 = tpu.memref_slice %arg2[%dma_wait3A_61, %dma_wait3A_62] : memref<10000x128xf32, #tpu.memory_space<hbm>> -> memref<10000x128xf32, #tpu.memory_space<hbm>>
      tpu.wait_indirect_dma semaphore(%arg10 : memref<!tpu.dma_semaphore, #tpu.memory_space<semaphore_mem>>) src(%dma_wait3A_63 : memref<10000x128xf32, #tpu.memory_space<hbm>>) dst(%arg8 : memref<80x128xf32, #tpu.memory_space<vmem>>)
      %dma_start3A_64 = arith.constant 0 : i32
      %dma_start3A_65 = tpu.memref_slice %arg7[%scan3A_52, %dma_start3A_64] : memref<125x80xi32, #tpu.memory_space<vmem>> -> memref<1x80xi32, #tpu.memory_space<vmem>>
      %dma_start3A_66 = tpu.memref_squeeze %dma_start3A_65 : memref<1x80xi32, #tpu.memory_space<vmem>> -> memref<80xi32, #tpu.memory_space<vmem>>
      %dma_start3A_67 = arith.constant 0 : i32
      %dma_start3A_68 = arith.constant 0 : i32
      %dma_start3A_69 = tpu.memref_slice %arg9[%dma_start3A_67, %dma_start3A_68] : memref<10240x128xf32, #tpu.memory_space<vmem_shared>> -> memref<10240x128xf32, #tpu.memory_space<vmem_shared>>
      tpu.enqueue_indirect_dma source(%arg8 : memref<80x128xf32, #tpu.memory_space<vmem>>) target(%dma_start3A_69 : memref<10240x128xf32, #tpu.memory_space<vmem_shared>>) offsets(%dma_start3A_66 : memref<80xi32, #tpu.memory_space<vmem>>) semaphore(%arg11 : memref<!tpu.dma_semaphore, #tpu.memory_space<semaphore_mem>>) {add = true}
      %dma_wait3A_70 = arith.constant 0 : i32
      %dma_wait3A_71 = tpu.memref_slice %arg7[%scan3A_52, %dma_wait3A_70] : memref<125x80xi32, #tpu.memory_space<vmem>> -> memref<1x80xi32, #tpu.memory_space<vmem>>
      %dma_wait3A_72 = tpu.memref_squeeze %dma_wait3A_71 : memref<1x80xi32, #tpu.memory_space<vmem>> -> memref<80xi32, #tpu.memory_space<vmem>>
      %dma_wait3A_73 = arith.constant 0 : i32
      %dma_wait3A_74 = arith.constant 0 : i32
      %dma_wait3A_75 = tpu.memref_slice %arg9[%dma_wait3A_73, %dma_wait3A_74] : memref<10240x128xf32, #tpu.memory_space<vmem_shared>> -> memref<10240x128xf32, #tpu.memory_space<vmem_shared>>
      tpu.wait_indirect_dma semaphore(%arg11 : memref<!tpu.dma_semaphore, #tpu.memory_space<semaphore_mem>>) src(%arg8 : memref<80x128xf32, #tpu.memory_space<vmem>>) dst(%dma_wait3A_75 : memref<10240x128xf32, #tpu.memory_space<vmem_shared>>)
      %scan3A_76 = arith.constant 0 : i32
      scf.yield %scan3A_76 : i32
    }
    %scan3A_46 = arith.constant 125 : i32
    %barrier3A_47 = arith.constant 0 : index
    tpu.barrier barrier_id(%barrier3A_47)
    %mul3A_48 = arith.constant 640 : i32
    %mul3A_49 = arith.muli %arg1, %mul3A_48 : i32
    %mul3A_50 = arith.constant 640 : i32
    %mul3A_51 = arith.muli %arg1, %mul3A_50 : i32
    "tpu.region"() ({
      %run_scoped3A = tpu.sem_alloc : memref<!tpu.dma_semaphore, #tpu.memory_space<semaphore_mem>>
      %dma_start3A = arith.constant 0 : i32
      %dma_start3A_52 = tpu.memref_slice %arg5[%arg0, %mul3A_51, %dma_start3A] : memref<2x10240x128xf32, #tpu.memory_space<hbm>> -> memref<1x640x128xf32, #tpu.memory_space<hbm>>
      %dma_start3A_53 = tpu.memref_squeeze %dma_start3A_52 : memref<1x640x128xf32, #tpu.memory_space<hbm>> -> memref<640x128xf32, #tpu.memory_space<hbm>>
      %dma_start3A_54 = arith.constant 0 : i32
      %dma_start3A_55 = tpu.memref_slice %arg9[%mul3A_49, %dma_start3A_54] : memref<10240x128xf32, #tpu.memory_space<vmem_shared>> -> memref<640x128xf32, #tpu.memory_space<vmem_shared>>
      tpu.enqueue_dma source(%dma_start3A_55 : memref<640x128xf32, #tpu.memory_space<vmem_shared>>) target(%dma_start3A_53 : memref<640x128xf32, #tpu.memory_space<hbm>>) target_semaphore(%run_scoped3A : memref<!tpu.dma_semaphore, #tpu.memory_space<semaphore_mem>>)
      %dma_wait3A = arith.constant 0 : i32
      %dma_wait3A_56 = tpu.memref_slice %arg5[%arg0, %mul3A_51, %dma_wait3A] : memref<2x10240x128xf32, #tpu.memory_space<hbm>> -> memref<1x640x128xf32, #tpu.memory_space<hbm>>
      %dma_wait3A_57 = tpu.memref_squeeze %dma_wait3A_56 : memref<1x640x128xf32, #tpu.memory_space<hbm>> -> memref<640x128xf32, #tpu.memory_space<hbm>>
      %dma_wait3A_58 = arith.constant 0 : i32
      %dma_wait3A_59 = tpu.memref_slice %arg9[%mul3A_49, %dma_wait3A_58] : memref<10240x128xf32, #tpu.memory_space<vmem_shared>> -> memref<640x128xf32, #tpu.memory_space<vmem_shared>>
      tpu.wait_dma2 semaphore(%run_scoped3A : memref<!tpu.dma_semaphore, #tpu.memory_space<semaphore_mem>>) src(%dma_wait3A_59 : memref<640x128xf32, #tpu.memory_space<vmem_shared>>) dst(%dma_wait3A_57 : memref<640x128xf32, #tpu.memory_space<hbm>>)
      tpu.yield
    }) : () -> ()
    return
  }
}

#map = affine_map<(d0, d1) -> (0, 0)>
#map1 = affine_map<(d0, d1) -> (0, 0, 0)>
module attributes {stable_mosaic.version = 14 : i64} {
  func.func @body(%arg0: i32, %arg1: i32, %arg2: memref<10000x128xf32, #tpu.memory_space<hbm>>, %arg3: memref<32x125x80xi32, #tpu.memory_space<hbm>>, %arg4: memref<32x125x80xi32, #tpu.memory_space<hbm>>, %arg5: memref<2x10240x128xf32, #tpu.memory_space<hbm>>, %arg6: memref<2x10240xf32, #tpu.memory_space<hbm>>, %arg7: memref<125x80xi32, #tpu.memory_space<vmem>>, %arg8: memref<125x80xi32, #tpu.memory_space<vmem>>, %arg9: memref<80x128xf32, #tpu.memory_space<vmem>>, %arg10: memref<10240x128xf32, #tpu.memory_space<vmem_shared>>, %arg11: memref<!tpu.dma_semaphore, #tpu.memory_space<semaphore_mem>>, %arg12: memref<!tpu.dma_semaphore, #tpu.memory_space<semaphore_mem>>, %arg13: memref<80xf32, #tpu.memory_space<vmem>>, %arg14: memref<640xf32, #tpu.memory_space<vmem>>, %arg15: memref<10240xf32, #tpu.memory_space<vmem_shared>>, %arg16: memref<!tpu.dma_semaphore, #tpu.memory_space<semaphore_mem>>) attributes {dimension_semantics = [#tpu.dimension_semantics<core_parallel>, #tpu.dimension_semantics<subcore_parallel>], iteration_bounds = array<i64: 2, 16>, scalar_prefetch = 0 : i64, scratch_operands = 10 : i64, tpu.core_type = #tpu.core_type<sc_vector_subcore>, window_params = [{transform_indices = #map}, {transform_indices = #map1}, {transform_indices = #map1}, {transform_indices = #map1}, {transform_indices = #map}]} {
    %mul3A = arith.constant 2 : i32
    %mul3A_0 = arith.muli %arg1, %mul3A : i32
    %add3A = arith.addi %mul3A_0, %arg0 : i32
    %broadcast_in_dim3A = arith.constant 0.000000e+00 : f32
    %broadcast_in_dim3A_1 = vector.broadcast %broadcast_in_dim3A : f32 to vector<16xf32>
    %scan3A = arith.constant 0 : i32
    %scan3A_2 = arith.constant 0 : i32
    %scan3A_3 = arith.constant 80 : i32
    %scan3A_4 = arith.addi %scan3A_2, %scan3A_3 : i32
    %scan3A_5 = arith.constant 1 : i32
    %scan3A_6 = scf.for %scan3A_74 = %scan3A_2 to %scan3A_4 step %scan3A_5 iter_args(%scan3A_75 = %scan3A) -> (i32)  : i32 {
      %scan3A_76 = arith.constant 0 : i32
      %scan3A_77 = arith.constant 0 : i32
      %scan3A_78 = arith.constant 8 : i32
      %scan3A_79 = arith.addi %scan3A_77, %scan3A_78 : i32
      %scan3A_80 = arith.constant 1 : i32
      %scan3A_81 = scf.for %scan3A_83 = %scan3A_77 to %scan3A_79 step %scan3A_80 iter_args(%scan3A_84 = %scan3A_76) -> (i32)  : i32 {
        %mul3A_85 = arith.constant 16 : i32
        %mul3A_86 = arith.muli %scan3A_83, %mul3A_85 : i32
        %swap3A = arith.index_cast %scan3A_74 : i32 to index
        %swap3A_87 = arith.index_cast %mul3A_86 : i32 to index
        %swap3A_88 = tpu.vector_load %arg9[%swap3A, %swap3A_87] {strides = array<i32>} : memref<80x128xf32, #tpu.memory_space<vmem>>, vector<1x16xf32>,
        %swap3A_89 = vector.shape_cast %swap3A_88 : vector<1x16xf32> to vector<16xf32>
        %swap3A_90 = vector.shape_cast %broadcast_in_dim3A_1 : vector<16xf32> to vector<1x16xf32>
        tpu.vector_store %arg9[%swap3A, %swap3A_87], %swap3A_90 {strides = array<i32>} : memref<80x128xf32, #tpu.memory_space<vmem>>, vector<1x16xf32>,
        %scan3A_91 = arith.constant 0 : i32
        scf.yield %scan3A_91 : i32
      }
      %scan3A_82 = arith.constant 8 : i32
      scf.yield %scan3A_81 : i32
    }
    %scan3A_7 = arith.constant 80 : i32
    %mul3A_8 = arith.constant 640 : i32
    %mul3A_9 = arith.muli %arg1, %mul3A_8 : i32
    %add3A_10 = arith.constant 0 : i32
    %add3A_11 = arith.addi %mul3A_9, %add3A_10 : i32
    "tpu.region"() ({
      %run_scoped3A = tpu.sem_alloc : memref<!tpu.dma_semaphore, #tpu.memory_space<semaphore_mem>>
      %dma_start3A = arith.constant 0 : i32
      %dma_start3A_74 = tpu.memref_slice %arg10[%add3A_11, %dma_start3A] : memref<10240x128xf32, #tpu.memory_space<vmem_shared>> -> memref<80x128xf32, #tpu.memory_space<vmem_shared>>
      %dma_start3A_75 = arith.constant 0 : i32
      %dma_start3A_76 = tpu.memref_slice %arg10[%add3A_11, %dma_start3A_75] : memref<10240x128xf32, #tpu.memory_space<vmem_shared>> -> memref<80x128xf32, #tpu.memory_space<vmem_shared>>
      tpu.enqueue_dma source(%arg9 : memref<80x128xf32, #tpu.memory_space<vmem>>) target(%dma_start3A_76 : memref<80x128xf32, #tpu.memory_space<vmem_shared>>) target_semaphore(%run_scoped3A : memref<!tpu.dma_semaphore, #tpu.memory_space<semaphore_mem>>)
      %dma_wait3A = arith.constant 0 : i32
      %dma_wait3A_77 = tpu.memref_slice %arg10[%add3A_11, %dma_wait3A] : memref<10240x128xf32, #tpu.memory_space<vmem_shared>> -> memref<80x128xf32, #tpu.memory_space<vmem_shared>>
      %dma_wait3A_78 = arith.constant 0 : i32
      %dma_wait3A_79 = tpu.memref_slice %arg10[%add3A_11, %dma_wait3A_78] : memref<10240x128xf32, #tpu.memory_space<vmem_shared>> -> memref<80x128xf32, #tpu.memory_space<vmem_shared>>
      tpu.wait_dma2 semaphore(%run_scoped3A : memref<!tpu.dma_semaphore, #tpu.memory_space<semaphore_mem>>) src(%arg9 : memref<80x128xf32, #tpu.memory_space<vmem>>) dst(%dma_wait3A_79 : memref<80x128xf32, #tpu.memory_space<vmem_shared>>)
      tpu.yield
    }) : () -> ()
    %mul3A_12 = arith.constant 640 : i32
    %mul3A_13 = arith.muli %arg1, %mul3A_12 : i32
    %add3A_14 = arith.constant 80 : i32
    %add3A_15 = arith.addi %mul3A_13, %add3A_14 : i32
    "tpu.region"() ({
      %run_scoped3A = tpu.sem_alloc : memref<!tpu.dma_semaphore, #tpu.memory_space<semaphore_mem>>
      %dma_start3A = arith.constant 0 : i32
      %dma_start3A_74 = tpu.memref_slice %arg10[%add3A_15, %dma_start3A] : memref<10240x128xf32, #tpu.memory_space<vmem_shared>> -> memref<80x128xf32, #tpu.memory_space<vmem_shared>>
      %dma_start3A_75 = arith.constant 0 : i32
      %dma_start3A_76 = tpu.memref_slice %arg10[%add3A_15, %dma_start3A_75] : memref<10240x128xf32, #tpu.memory_space<vmem_shared>> -> memref<80x128xf32, #tpu.memory_space<vmem_shared>>
      tpu.enqueue_dma source(%arg9 : memref<80x128xf32, #tpu.memory_space<vmem>>) target(%dma_start3A_76 : memref<80x128xf32, #tpu.memory_space<vmem_shared>>) target_semaphore(%run_scoped3A : memref<!tpu.dma_semaphore, #tpu.memory_space<semaphore_mem>>)
      %dma_wait3A = arith.constant 0 : i32
      %dma_wait3A_77 = tpu.memref_slice %arg10[%add3A_15, %dma_wait3A] : memref<10240x128xf32, #tpu.memory_space<vmem_shared>> -> memref<80x128xf32, #tpu.memory_space<vmem_shared>>
      %dma_wait3A_78 = arith.constant 0 : i32
      %dma_wait3A_79 = tpu.memref_slice %arg10[%add3A_15, %dma_wait3A_78] : memref<10240x128xf32, #tpu.memory_space<vmem_shared>> -> memref<80x128xf32, #tpu.memory_space<vmem_shared>>
      tpu.wait_dma2 semaphore(%run_scoped3A : memref<!tpu.dma_semaphore, #tpu.memory_space<semaphore_mem>>) src(%arg9 : memref<80x128xf32, #tpu.memory_space<vmem>>) dst(%dma_wait3A_79 : memref<80x128xf32, #tpu.memory_space<vmem_shared>>)
      tpu.yield
    }) : () -> ()
    %mul3A_16 = arith.constant 640 : i32
    %mul3A_17 = arith.muli %arg1, %mul3A_16 : i32
    %add3A_18 = arith.constant 160 : i32
    %add3A_19 = arith.addi %mul3A_17, %add3A_18 : i32
    "tpu.region"() ({
      %run_scoped3A = tpu.sem_alloc : memref<!tpu.dma_semaphore, #tpu.memory_space<semaphore_mem>>
      %dma_start3A = arith.constant 0 : i32
      %dma_start3A_74 = tpu.memref_slice %arg10[%add3A_19, %dma_start3A] : memref<10240x128xf32, #tpu.memory_space<vmem_shared>> -> memref<80x128xf32, #tpu.memory_space<vmem_shared>>
      %dma_start3A_75 = arith.constant 0 : i32
      %dma_start3A_76 = tpu.memref_slice %arg10[%add3A_19, %dma_start3A_75] : memref<10240x128xf32, #tpu.memory_space<vmem_shared>> -> memref<80x128xf32, #tpu.memory_space<vmem_shared>>
      tpu.enqueue_dma source(%arg9 : memref<80x128xf32, #tpu.memory_space<vmem>>) target(%dma_start3A_76 : memref<80x128xf32, #tpu.memory_space<vmem_shared>>) target_semaphore(%run_scoped3A : memref<!tpu.dma_semaphore, #tpu.memory_space<semaphore_mem>>)
      %dma_wait3A = arith.constant 0 : i32
      %dma_wait3A_77 = tpu.memref_slice %arg10[%add3A_19, %dma_wait3A] : memref<10240x128xf32, #tpu.memory_space<vmem_shared>> -> memref<80x128xf32, #tpu.memory_space<vmem_shared>>
      %dma_wait3A_78 = arith.constant 0 : i32
      %dma_wait3A_79 = tpu.memref_slice %arg10[%add3A_19, %dma_wait3A_78] : memref<10240x128xf32, #tpu.memory_space<vmem_shared>> -> memref<80x128xf32, #tpu.memory_space<vmem_shared>>
      tpu.wait_dma2 semaphore(%run_scoped3A : memref<!tpu.dma_semaphore, #tpu.memory_space<semaphore_mem>>) src(%arg9 : memref<80x128xf32, #tpu.memory_space<vmem>>) dst(%dma_wait3A_79 : memref<80x128xf32, #tpu.memory_space<vmem_shared>>)
      tpu.yield
    }) : () -> ()
    %mul3A_20 = arith.constant 640 : i32
    %mul3A_21 = arith.muli %arg1, %mul3A_20 : i32
    %add3A_22 = arith.constant 240 : i32
    %add3A_23 = arith.addi %mul3A_21, %add3A_22 : i32
    "tpu.region"() ({
      %run_scoped3A = tpu.sem_alloc : memref<!tpu.dma_semaphore, #tpu.memory_space<semaphore_mem>>
      %dma_start3A = arith.constant 0 : i32
      %dma_start3A_74 = tpu.memref_slice %arg10[%add3A_23, %dma_start3A] : memref<10240x128xf32, #tpu.memory_space<vmem_shared>> -> memref<80x128xf32, #tpu.memory_space<vmem_shared>>
      %dma_start3A_75 = arith.constant 0 : i32
      %dma_start3A_76 = tpu.memref_slice %arg10[%add3A_23, %dma_start3A_75] : memref<10240x128xf32, #tpu.memory_space<vmem_shared>> -> memref<80x128xf32, #tpu.memory_space<vmem_shared>>
      tpu.enqueue_dma source(%arg9 : memref<80x128xf32, #tpu.memory_space<vmem>>) target(%dma_start3A_76 : memref<80x128xf32, #tpu.memory_space<vmem_shared>>) target_semaphore(%run_scoped3A : memref<!tpu.dma_semaphore, #tpu.memory_space<semaphore_mem>>)
      %dma_wait3A = arith.constant 0 : i32
      %dma_wait3A_77 = tpu.memref_slice %arg10[%add3A_23, %dma_wait3A] : memref<10240x128xf32, #tpu.memory_space<vmem_shared>> -> memref<80x128xf32, #tpu.memory_space<vmem_shared>>
      %dma_wait3A_78 = arith.constant 0 : i32
      %dma_wait3A_79 = tpu.memref_slice %arg10[%add3A_23, %dma_wait3A_78] : memref<10240x128xf32, #tpu.memory_space<vmem_shared>> -> memref<80x128xf32, #tpu.memory_space<vmem_shared>>
      tpu.wait_dma2 semaphore(%run_scoped3A : memref<!tpu.dma_semaphore, #tpu.memory_space<semaphore_mem>>) src(%arg9 : memref<80x128xf32, #tpu.memory_space<vmem>>) dst(%dma_wait3A_79 : memref<80x128xf32, #tpu.memory_space<vmem_shared>>)
      tpu.yield
    }) : () -> ()
    %mul3A_24 = arith.constant 640 : i32
    %mul3A_25 = arith.muli %arg1, %mul3A_24 : i32
    %add3A_26 = arith.constant 320 : i32
    %add3A_27 = arith.addi %mul3A_25, %add3A_26 : i32
    "tpu.region"() ({
      %run_scoped3A = tpu.sem_alloc : memref<!tpu.dma_semaphore, #tpu.memory_space<semaphore_mem>>
      %dma_start3A = arith.constant 0 : i32
      %dma_start3A_74 = tpu.memref_slice %arg10[%add3A_27, %dma_start3A] : memref<10240x128xf32, #tpu.memory_space<vmem_shared>> -> memref<80x128xf32, #tpu.memory_space<vmem_shared>>
      %dma_start3A_75 = arith.constant 0 : i32
      %dma_start3A_76 = tpu.memref_slice %arg10[%add3A_27, %dma_start3A_75] : memref<10240x128xf32, #tpu.memory_space<vmem_shared>> -> memref<80x128xf32, #tpu.memory_space<vmem_shared>>
      tpu.enqueue_dma source(%arg9 : memref<80x128xf32, #tpu.memory_space<vmem>>) target(%dma_start3A_76 : memref<80x128xf32, #tpu.memory_space<vmem_shared>>) target_semaphore(%run_scoped3A : memref<!tpu.dma_semaphore, #tpu.memory_space<semaphore_mem>>)
      %dma_wait3A = arith.constant 0 : i32
      %dma_wait3A_77 = tpu.memref_slice %arg10[%add3A_27, %dma_wait3A] : memref<10240x128xf32, #tpu.memory_space<vmem_shared>> -> memref<80x128xf32, #tpu.memory_space<vmem_shared>>
      %dma_wait3A_78 = arith.constant 0 : i32
      %dma_wait3A_79 = tpu.memref_slice %arg10[%add3A_27, %dma_wait3A_78] : memref<10240x128xf32, #tpu.memory_space<vmem_shared>> -> memref<80x128xf32, #tpu.memory_space<vmem_shared>>
      tpu.wait_dma2 semaphore(%run_scoped3A : memref<!tpu.dma_semaphore, #tpu.memory_space<semaphore_mem>>) src(%arg9 : memref<80x128xf32, #tpu.memory_space<vmem>>) dst(%dma_wait3A_79 : memref<80x128xf32, #tpu.memory_space<vmem_shared>>)
      tpu.yield
    }) : () -> ()
    %mul3A_28 = arith.constant 640 : i32
    %mul3A_29 = arith.muli %arg1, %mul3A_28 : i32
    %add3A_30 = arith.constant 400 : i32
    %add3A_31 = arith.addi %mul3A_29, %add3A_30 : i32
    "tpu.region"() ({
      %run_scoped3A = tpu.sem_alloc : memref<!tpu.dma_semaphore, #tpu.memory_space<semaphore_mem>>
      %dma_start3A = arith.constant 0 : i32
      %dma_start3A_74 = tpu.memref_slice %arg10[%add3A_31, %dma_start3A] : memref<10240x128xf32, #tpu.memory_space<vmem_shared>> -> memref<80x128xf32, #tpu.memory_space<vmem_shared>>
      %dma_start3A_75 = arith.constant 0 : i32
      %dma_start3A_76 = tpu.memref_slice %arg10[%add3A_31, %dma_start3A_75] : memref<10240x128xf32, #tpu.memory_space<vmem_shared>> -> memref<80x128xf32, #tpu.memory_space<vmem_shared>>
      tpu.enqueue_dma source(%arg9 : memref<80x128xf32, #tpu.memory_space<vmem>>) target(%dma_start3A_76 : memref<80x128xf32, #tpu.memory_space<vmem_shared>>) target_semaphore(%run_scoped3A : memref<!tpu.dma_semaphore, #tpu.memory_space<semaphore_mem>>)
      %dma_wait3A = arith.constant 0 : i32
      %dma_wait3A_77 = tpu.memref_slice %arg10[%add3A_31, %dma_wait3A] : memref<10240x128xf32, #tpu.memory_space<vmem_shared>> -> memref<80x128xf32, #tpu.memory_space<vmem_shared>>
      %dma_wait3A_78 = arith.constant 0 : i32
      %dma_wait3A_79 = tpu.memref_slice %arg10[%add3A_31, %dma_wait3A_78] : memref<10240x128xf32, #tpu.memory_space<vmem_shared>> -> memref<80x128xf32, #tpu.memory_space<vmem_shared>>
      tpu.wait_dma2 semaphore(%run_scoped3A : memref<!tpu.dma_semaphore, #tpu.memory_space<semaphore_mem>>) src(%arg9 : memref<80x128xf32, #tpu.memory_space<vmem>>) dst(%dma_wait3A_79 : memref<80x128xf32, #tpu.memory_space<vmem_shared>>)
      tpu.yield
    }) : () -> ()
    %mul3A_32 = arith.constant 640 : i32
    %mul3A_33 = arith.muli %arg1, %mul3A_32 : i32
    %add3A_34 = arith.constant 480 : i32
    %add3A_35 = arith.addi %mul3A_33, %add3A_34 : i32
    "tpu.region"() ({
      %run_scoped3A = tpu.sem_alloc : memref<!tpu.dma_semaphore, #tpu.memory_space<semaphore_mem>>
      %dma_start3A = arith.constant 0 : i32
      %dma_start3A_74 = tpu.memref_slice %arg10[%add3A_35, %dma_start3A] : memref<10240x128xf32, #tpu.memory_space<vmem_shared>> -> memref<80x128xf32, #tpu.memory_space<vmem_shared>>
      %dma_start3A_75 = arith.constant 0 : i32
      %dma_start3A_76 = tpu.memref_slice %arg10[%add3A_35, %dma_start3A_75] : memref<10240x128xf32, #tpu.memory_space<vmem_shared>> -> memref<80x128xf32, #tpu.memory_space<vmem_shared>>
      tpu.enqueue_dma source(%arg9 : memref<80x128xf32, #tpu.memory_space<vmem>>) target(%dma_start3A_76 : memref<80x128xf32, #tpu.memory_space<vmem_shared>>) target_semaphore(%run_scoped3A : memref<!tpu.dma_semaphore, #tpu.memory_space<semaphore_mem>>)
      %dma_wait3A = arith.constant 0 : i32
      %dma_wait3A_77 = tpu.memref_slice %arg10[%add3A_35, %dma_wait3A] : memref<10240x128xf32, #tpu.memory_space<vmem_shared>> -> memref<80x128xf32, #tpu.memory_space<vmem_shared>>
      %dma_wait3A_78 = arith.constant 0 : i32
      %dma_wait3A_79 = tpu.memref_slice %arg10[%add3A_35, %dma_wait3A_78] : memref<10240x128xf32, #tpu.memory_space<vmem_shared>> -> memref<80x128xf32, #tpu.memory_space<vmem_shared>>
      tpu.wait_dma2 semaphore(%run_scoped3A : memref<!tpu.dma_semaphore, #tpu.memory_space<semaphore_mem>>) src(%arg9 : memref<80x128xf32, #tpu.memory_space<vmem>>) dst(%dma_wait3A_79 : memref<80x128xf32, #tpu.memory_space<vmem_shared>>)
      tpu.yield
    }) : () -> ()
    %mul3A_36 = arith.constant 640 : i32
    %mul3A_37 = arith.muli %arg1, %mul3A_36 : i32
    %add3A_38 = arith.constant 560 : i32
    %add3A_39 = arith.addi %mul3A_37, %add3A_38 : i32
    "tpu.region"() ({
      %run_scoped3A = tpu.sem_alloc : memref<!tpu.dma_semaphore, #tpu.memory_space<semaphore_mem>>
      %dma_start3A = arith.constant 0 : i32
      %dma_start3A_74 = tpu.memref_slice %arg10[%add3A_39, %dma_start3A] : memref<10240x128xf32, #tpu.memory_space<vmem_shared>> -> memref<80x128xf32, #tpu.memory_space<vmem_shared>>
      %dma_start3A_75 = arith.constant 0 : i32
      %dma_start3A_76 = tpu.memref_slice %arg10[%add3A_39, %dma_start3A_75] : memref<10240x128xf32, #tpu.memory_space<vmem_shared>> -> memref<80x128xf32, #tpu.memory_space<vmem_shared>>
      tpu.enqueue_dma source(%arg9 : memref<80x128xf32, #tpu.memory_space<vmem>>) target(%dma_start3A_76 : memref<80x128xf32, #tpu.memory_space<vmem_shared>>) target_semaphore(%run_scoped3A : memref<!tpu.dma_semaphore, #tpu.memory_space<semaphore_mem>>)
      %dma_wait3A = arith.constant 0 : i32
      %dma_wait3A_77 = tpu.memref_slice %arg10[%add3A_39, %dma_wait3A] : memref<10240x128xf32, #tpu.memory_space<vmem_shared>> -> memref<80x128xf32, #tpu.memory_space<vmem_shared>>
      %dma_wait3A_78 = arith.constant 0 : i32
      %dma_wait3A_79 = tpu.memref_slice %arg10[%add3A_39, %dma_wait3A_78] : memref<10240x128xf32, #tpu.memory_space<vmem_shared>> -> memref<80x128xf32, #tpu.memory_space<vmem_shared>>
      tpu.wait_dma2 semaphore(%run_scoped3A : memref<!tpu.dma_semaphore, #tpu.memory_space<semaphore_mem>>) src(%arg9 : memref<80x128xf32, #tpu.memory_space<vmem>>) dst(%dma_wait3A_79 : memref<80x128xf32, #tpu.memory_space<vmem_shared>>)
      tpu.yield
    }) : () -> ()
    %broadcast_in_dim3A_40 = arith.constant 1.000000e+00 : f32
    %broadcast_in_dim3A_41 = vector.broadcast %broadcast_in_dim3A_40 : f32 to vector<16xf32>
    %scan3A_42 = arith.constant 0 : i32
    %scan3A_43 = arith.constant 0 : i32
    %scan3A_44 = arith.constant 5 : i32
    %scan3A_45 = arith.addi %scan3A_43, %scan3A_44 : i32
    %scan3A_46 = arith.constant 1 : i32
    %scan3A_47 = scf.for %scan3A_74 = %scan3A_43 to %scan3A_45 step %scan3A_46 iter_args(%scan3A_75 = %scan3A_42) -> (i32)  : i32 {
      %mul3A_76 = arith.constant 16 : i32
      %mul3A_77 = arith.muli %scan3A_74, %mul3A_76 : i32
      %swap3A = arith.index_cast %mul3A_77 : i32 to index
      %swap3A_78 = tpu.vector_load %arg13[%swap3A] {strides = array<i32>} : memref<80xf32, #tpu.memory_space<vmem>>, vector<16xf32>,
      %swap3A_79 = vector.shape_cast %swap3A_78 : vector<16xf32> to vector<16xf32>
      %swap3A_80 = vector.shape_cast %broadcast_in_dim3A_41 : vector<16xf32> to vector<16xf32>
      tpu.vector_store %arg13[%swap3A], %swap3A_80 {strides = array<i32>} : memref<80xf32, #tpu.memory_space<vmem>>, vector<16xf32>,
      %scan3A_81 = arith.constant 0 : i32
      scf.yield %scan3A_81 : i32
    }
    %scan3A_48 = arith.constant 5 : i32
    %scan3A_49 = arith.constant 0 : i32
    %scan3A_50 = arith.constant 0 : i32
    %scan3A_51 = arith.constant 40 : i32
    %scan3A_52 = arith.addi %scan3A_50, %scan3A_51 : i32
    %scan3A_53 = arith.constant 1 : i32
    %scan3A_54 = scf.for %scan3A_74 = %scan3A_50 to %scan3A_52 step %scan3A_53 iter_args(%scan3A_75 = %scan3A_49) -> (i32)  : i32 {
      %mul3A_76 = arith.constant 16 : i32
      %mul3A_77 = arith.muli %scan3A_74, %mul3A_76 : i32
      %swap3A = arith.index_cast %mul3A_77 : i32 to index
      %swap3A_78 = tpu.vector_load %arg14[%swap3A] {strides = array<i32>} : memref<640xf32, #tpu.memory_space<vmem>>, vector<16xf32>,
      %swap3A_79 = vector.shape_cast %swap3A_78 : vector<16xf32> to vector<16xf32>
      %swap3A_80 = vector.shape_cast %broadcast_in_dim3A_1 : vector<16xf32> to vector<16xf32>
      tpu.vector_store %arg14[%swap3A], %swap3A_80 {strides = array<i32>} : memref<640xf32, #tpu.memory_space<vmem>>, vector<16xf32>,
      %scan3A_81 = arith.constant 0 : i32
      scf.yield %scan3A_81 : i32
    }
    %scan3A_55 = arith.constant 40 : i32
    %mul3A_56 = arith.constant 640 : i32
    %mul3A_57 = arith.muli %arg1, %mul3A_56 : i32
    "tpu.region"() ({
      %run_scoped3A = tpu.sem_alloc : memref<!tpu.dma_semaphore, #tpu.memory_space<semaphore_mem>>
      %dma_start3A = tpu.memref_slice %arg15[%mul3A_57] : memref<10240xf32, #tpu.memory_space<vmem_shared>> -> memref<640xf32, #tpu.memory_space<vmem_shared>>
      %dma_start3A_74 = tpu.memref_slice %arg15[%mul3A_57] : memref<10240xf32, #tpu.memory_space<vmem_shared>> -> memref<640xf32, #tpu.memory_space<vmem_shared>>
      tpu.enqueue_dma source(%arg14 : memref<640xf32, #tpu.memory_space<vmem>>) target(%dma_start3A_74 : memref<640xf32, #tpu.memory_space<vmem_shared>>) target_semaphore(%run_scoped3A : memref<!tpu.dma_semaphore, #tpu.memory_space<semaphore_mem>>)
      %dma_wait3A = tpu.memref_slice %arg15[%mul3A_57] : memref<10240xf32, #tpu.memory_space<vmem_shared>> -> memref<640xf32, #tpu.memory_space<vmem_shared>>
      %dma_wait3A_75 = tpu.memref_slice %arg15[%mul3A_57] : memref<10240xf32, #tpu.memory_space<vmem_shared>> -> memref<640xf32, #tpu.memory_space<vmem_shared>>
      tpu.wait_dma2 semaphore(%run_scoped3A : memref<!tpu.dma_semaphore, #tpu.memory_space<semaphore_mem>>) src(%arg14 : memref<640xf32, #tpu.memory_space<vmem>>) dst(%dma_wait3A_75 : memref<640xf32, #tpu.memory_space<vmem_shared>>)
      tpu.yield
    }) : () -> ()
    "tpu.region"() ({
      %run_scoped3A = tpu.sem_alloc : memref<!tpu.dma_semaphore, #tpu.memory_space<semaphore_mem>>
      %dma_start3A = arith.constant 0 : i32
      %dma_start3A_74 = arith.constant 0 : i32
      %dma_start3A_75 = tpu.memref_slice %arg3[%add3A, %dma_start3A, %dma_start3A_74] : memref<32x125x80xi32, #tpu.memory_space<hbm>> -> memref<1x125x80xi32, #tpu.memory_space<hbm>>
      %dma_start3A_76 = tpu.memref_squeeze %dma_start3A_75 : memref<1x125x80xi32, #tpu.memory_space<hbm>> -> memref<125x80xi32, #tpu.memory_space<hbm>>
      %dma_start3A_77 = arith.constant 0 : i32
      %dma_start3A_78 = arith.constant 0 : i32
      %dma_start3A_79 = tpu.memref_slice %arg3[%add3A, %dma_start3A_77, %dma_start3A_78] : memref<32x125x80xi32, #tpu.memory_space<hbm>> -> memref<1x125x80xi32, #tpu.memory_space<hbm>>
      %dma_start3A_80 = tpu.memref_squeeze %dma_start3A_79 : memref<1x125x80xi32, #tpu.memory_space<hbm>> -> memref<125x80xi32, #tpu.memory_space<hbm>>
      tpu.enqueue_dma source(%dma_start3A_80 : memref<125x80xi32, #tpu.memory_space<hbm>>) target(%arg7 : memref<125x80xi32, #tpu.memory_space<vmem>>) target_semaphore(%run_scoped3A : memref<!tpu.dma_semaphore, #tpu.memory_space<semaphore_mem>>)
      %dma_wait3A = arith.constant 0 : i32
      %dma_wait3A_81 = arith.constant 0 : i32
      %dma_wait3A_82 = tpu.memref_slice %arg3[%add3A, %dma_wait3A, %dma_wait3A_81] : memref<32x125x80xi32, #tpu.memory_space<hbm>> -> memref<1x125x80xi32, #tpu.memory_space<hbm>>
      %dma_wait3A_83 = tpu.memref_squeeze %dma_wait3A_82 : memref<1x125x80xi32, #tpu.memory_space<hbm>> -> memref<125x80xi32, #tpu.memory_space<hbm>>
      %dma_wait3A_84 = arith.constant 0 : i32
      %dma_wait3A_85 = arith.constant 0 : i32
      %dma_wait3A_86 = tpu.memref_slice %arg3[%add3A, %dma_wait3A_84, %dma_wait3A_85] : memref<32x125x80xi32, #tpu.memory_space<hbm>> -> memref<1x125x80xi32, #tpu.memory_space<hbm>>
      %dma_wait3A_87 = tpu.memref_squeeze %dma_wait3A_86 : memref<1x125x80xi32, #tpu.memory_space<hbm>> -> memref<125x80xi32, #tpu.memory_space<hbm>>
      tpu.wait_dma2 semaphore(%run_scoped3A : memref<!tpu.dma_semaphore, #tpu.memory_space<semaphore_mem>>) src(%dma_wait3A_87 : memref<125x80xi32, #tpu.memory_space<hbm>>) dst(%arg7 : memref<125x80xi32, #tpu.memory_space<vmem>>)
      tpu.yield
    }) : () -> ()
    "tpu.region"() ({
      %run_scoped3A = tpu.sem_alloc : memref<!tpu.dma_semaphore, #tpu.memory_space<semaphore_mem>>
      %dma_start3A = arith.constant 0 : i32
      %dma_start3A_74 = arith.constant 0 : i32
      %dma_start3A_75 = tpu.memref_slice %arg4[%add3A, %dma_start3A, %dma_start3A_74] : memref<32x125x80xi32, #tpu.memory_space<hbm>> -> memref<1x125x80xi32, #tpu.memory_space<hbm>>
      %dma_start3A_76 = tpu.memref_squeeze %dma_start3A_75 : memref<1x125x80xi32, #tpu.memory_space<hbm>> -> memref<125x80xi32, #tpu.memory_space<hbm>>
      %dma_start3A_77 = arith.constant 0 : i32
      %dma_start3A_78 = arith.constant 0 : i32
      %dma_start3A_79 = tpu.memref_slice %arg4[%add3A, %dma_start3A_77, %dma_start3A_78] : memref<32x125x80xi32, #tpu.memory_space<hbm>> -> memref<1x125x80xi32, #tpu.memory_space<hbm>>
      %dma_start3A_80 = tpu.memref_squeeze %dma_start3A_79 : memref<1x125x80xi32, #tpu.memory_space<hbm>> -> memref<125x80xi32, #tpu.memory_space<hbm>>
      tpu.enqueue_dma source(%dma_start3A_80 : memref<125x80xi32, #tpu.memory_space<hbm>>) target(%arg8 : memref<125x80xi32, #tpu.memory_space<vmem>>) target_semaphore(%run_scoped3A : memref<!tpu.dma_semaphore, #tpu.memory_space<semaphore_mem>>)
      %dma_wait3A = arith.constant 0 : i32
      %dma_wait3A_81 = arith.constant 0 : i32
      %dma_wait3A_82 = tpu.memref_slice %arg4[%add3A, %dma_wait3A, %dma_wait3A_81] : memref<32x125x80xi32, #tpu.memory_space<hbm>> -> memref<1x125x80xi32, #tpu.memory_space<hbm>>
      %dma_wait3A_83 = tpu.memref_squeeze %dma_wait3A_82 : memref<1x125x80xi32, #tpu.memory_space<hbm>> -> memref<125x80xi32, #tpu.memory_space<hbm>>
      %dma_wait3A_84 = arith.constant 0 : i32
      %dma_wait3A_85 = arith.constant 0 : i32
      %dma_wait3A_86 = tpu.memref_slice %arg4[%add3A, %dma_wait3A_84, %dma_wait3A_85] : memref<32x125x80xi32, #tpu.memory_space<hbm>> -> memref<1x125x80xi32, #tpu.memory_space<hbm>>
      %dma_wait3A_87 = tpu.memref_squeeze %dma_wait3A_86 : memref<1x125x80xi32, #tpu.memory_space<hbm>> -> memref<125x80xi32, #tpu.memory_space<hbm>>
      tpu.wait_dma2 semaphore(%run_scoped3A : memref<!tpu.dma_semaphore, #tpu.memory_space<semaphore_mem>>) src(%dma_wait3A_87 : memref<125x80xi32, #tpu.memory_space<hbm>>) dst(%arg8 : memref<125x80xi32, #tpu.memory_space<vmem>>)
      tpu.yield
    }) : () -> ()
    %barrier3A = arith.constant 0 : index
    tpu.barrier barrier_id(%barrier3A)
    %scan3A_58 = arith.constant 0 : i32
    %scan3A_59 = arith.constant 0 : i32
    %scan3A_60 = arith.constant 125 : i32
    %scan3A_61 = arith.addi %scan3A_59, %scan3A_60 : i32
    %scan3A_62 = arith.constant 1 : i32
    %scan3A_63 = scf.for %scan3A_74 = %scan3A_59 to %scan3A_61 step %scan3A_62 iter_args(%scan3A_75 = %scan3A_58) -> (i32)  : i32 {
      %dma_start3A = arith.constant 0 : i32
      %dma_start3A_76 = tpu.memref_slice %arg7[%scan3A_74, %dma_start3A] : memref<125x80xi32, #tpu.memory_space<vmem>> -> memref<1x80xi32, #tpu.memory_space<vmem>>
      %dma_start3A_77 = tpu.memref_squeeze %dma_start3A_76 : memref<1x80xi32, #tpu.memory_space<vmem>> -> memref<80xi32, #tpu.memory_space<vmem>>
      %dma_start3A_78 = arith.constant 0 : i32
      %dma_start3A_79 = arith.constant 0 : i32
      %dma_start3A_80 = tpu.memref_slice %arg2[%dma_start3A_78, %dma_start3A_79] : memref<10000x128xf32, #tpu.memory_space<hbm>> -> memref<10000x128xf32, #tpu.memory_space<hbm>>
      tpu.enqueue_indirect_dma source(%dma_start3A_80 : memref<10000x128xf32, #tpu.memory_space<hbm>>) target(%arg9 : memref<80x128xf32, #tpu.memory_space<vmem>>) offsets(%dma_start3A_77 : memref<80xi32, #tpu.memory_space<vmem>>) semaphore(%arg11 : memref<!tpu.dma_semaphore, #tpu.memory_space<semaphore_mem>>)
      %dma_wait3A = arith.constant 0 : i32
      %dma_wait3A_81 = tpu.memref_slice %arg7[%scan3A_74, %dma_wait3A] : memref<125x80xi32, #tpu.memory_space<vmem>> -> memref<1x80xi32, #tpu.memory_space<vmem>>
      %dma_wait3A_82 = tpu.memref_squeeze %dma_wait3A_81 : memref<1x80xi32, #tpu.memory_space<vmem>> -> memref<80xi32, #tpu.memory_space<vmem>>
      %dma_wait3A_83 = arith.constant 0 : i32
      %dma_wait3A_84 = arith.constant 0 : i32
      %dma_wait3A_85 = tpu.memref_slice %arg2[%dma_wait3A_83, %dma_wait3A_84] : memref<10000x128xf32, #tpu.memory_space<hbm>> -> memref<10000x128xf32, #tpu.memory_space<hbm>>
      tpu.wait_indirect_dma semaphore(%arg11 : memref<!tpu.dma_semaphore, #tpu.memory_space<semaphore_mem>>) src(%dma_wait3A_85 : memref<10000x128xf32, #tpu.memory_space<hbm>>) dst(%arg9 : memref<80x128xf32, #tpu.memory_space<vmem>>)
      %dma_start3A_86 = arith.constant 0 : i32
      %dma_start3A_87 = tpu.memref_slice %arg8[%scan3A_74, %dma_start3A_86] : memref<125x80xi32, #tpu.memory_space<vmem>> -> memref<1x80xi32, #tpu.memory_space<vmem>>
      %dma_start3A_88 = tpu.memref_squeeze %dma_start3A_87 : memref<1x80xi32, #tpu.memory_space<vmem>> -> memref<80xi32, #tpu.memory_space<vmem>>
      %dma_start3A_89 = arith.constant 0 : i32
      %dma_start3A_90 = arith.constant 0 : i32
      %dma_start3A_91 = tpu.memref_slice %arg10[%dma_start3A_89, %dma_start3A_90] : memref<10240x128xf32, #tpu.memory_space<vmem_shared>> -> memref<10240x128xf32, #tpu.memory_space<vmem_shared>>
      tpu.enqueue_indirect_dma source(%arg9 : memref<80x128xf32, #tpu.memory_space<vmem>>) target(%dma_start3A_91 : memref<10240x128xf32, #tpu.memory_space<vmem_shared>>) offsets(%dma_start3A_88 : memref<80xi32, #tpu.memory_space<vmem>>) semaphore(%arg12 : memref<!tpu.dma_semaphore, #tpu.memory_space<semaphore_mem>>) {add = true}
      %dma_wait3A_92 = arith.constant 0 : i32
      %dma_wait3A_93 = tpu.memref_slice %arg8[%scan3A_74, %dma_wait3A_92] : memref<125x80xi32, #tpu.memory_space<vmem>> -> memref<1x80xi32, #tpu.memory_space<vmem>>
      %dma_wait3A_94 = tpu.memref_squeeze %dma_wait3A_93 : memref<1x80xi32, #tpu.memory_space<vmem>> -> memref<80xi32, #tpu.memory_space<vmem>>
      %dma_wait3A_95 = arith.constant 0 : i32
      %dma_wait3A_96 = arith.constant 0 : i32
      %dma_wait3A_97 = tpu.memref_slice %arg10[%dma_wait3A_95, %dma_wait3A_96] : memref<10240x128xf32, #tpu.memory_space<vmem_shared>> -> memref<10240x128xf32, #tpu.memory_space<vmem_shared>>
      tpu.wait_indirect_dma semaphore(%arg12 : memref<!tpu.dma_semaphore, #tpu.memory_space<semaphore_mem>>) src(%arg9 : memref<80x128xf32, #tpu.memory_space<vmem>>) dst(%dma_wait3A_97 : memref<10240x128xf32, #tpu.memory_space<vmem_shared>>)
      %dma_start3A_98 = arith.constant 0 : i32
      %dma_start3A_99 = tpu.memref_slice %arg8[%scan3A_74, %dma_start3A_98] : memref<125x80xi32, #tpu.memory_space<vmem>> -> memref<1x80xi32, #tpu.memory_space<vmem>>
      %dma_start3A_100 = tpu.memref_squeeze %dma_start3A_99 : memref<1x80xi32, #tpu.memory_space<vmem>> -> memref<80xi32, #tpu.memory_space<vmem>>
      %dma_start3A_101 = arith.constant 0 : i32
      %dma_start3A_102 = tpu.memref_slice %arg15[%dma_start3A_101] : memref<10240xf32, #tpu.memory_space<vmem_shared>> -> memref<10240xf32, #tpu.memory_space<vmem_shared>>
      tpu.enqueue_indirect_dma source(%arg13 : memref<80xf32, #tpu.memory_space<vmem>>) target(%dma_start3A_102 : memref<10240xf32, #tpu.memory_space<vmem_shared>>) offsets(%dma_start3A_100 : memref<80xi32, #tpu.memory_space<vmem>>) semaphore(%arg16 : memref<!tpu.dma_semaphore, #tpu.memory_space<semaphore_mem>>) {add = true}
      %dma_wait3A_103 = arith.constant 0 : i32
      %dma_wait3A_104 = tpu.memref_slice %arg8[%scan3A_74, %dma_wait3A_103] : memref<125x80xi32, #tpu.memory_space<vmem>> -> memref<1x80xi32, #tpu.memory_space<vmem>>
      %dma_wait3A_105 = tpu.memref_squeeze %dma_wait3A_104 : memref<1x80xi32, #tpu.memory_space<vmem>> -> memref<80xi32, #tpu.memory_space<vmem>>
      %dma_wait3A_106 = arith.constant 0 : i32
      %dma_wait3A_107 = tpu.memref_slice %arg15[%dma_wait3A_106] : memref<10240xf32, #tpu.memory_space<vmem_shared>> -> memref<10240xf32, #tpu.memory_space<vmem_shared>>
      tpu.wait_indirect_dma semaphore(%arg16 : memref<!tpu.dma_semaphore, #tpu.memory_space<semaphore_mem>>) src(%arg13 : memref<80xf32, #tpu.memory_space<vmem>>) dst(%dma_wait3A_107 : memref<10240xf32, #tpu.memory_space<vmem_shared>>)
      %scan3A_108 = arith.constant 0 : i32
      scf.yield %scan3A_108 : i32
    }
    %scan3A_64 = arith.constant 125 : i32
    %barrier3A_65 = arith.constant 0 : index
    tpu.barrier barrier_id(%barrier3A_65)
    %mul3A_66 = arith.constant 640 : i32
    %mul3A_67 = arith.muli %arg1, %mul3A_66 : i32
    %mul3A_68 = arith.constant 640 : i32
    %mul3A_69 = arith.muli %arg1, %mul3A_68 : i32
    "tpu.region"() ({
      %run_scoped3A = tpu.sem_alloc : memref<!tpu.dma_semaphore, #tpu.memory_space<semaphore_mem>>
      %dma_start3A = arith.constant 0 : i32
      %dma_start3A_74 = tpu.memref_slice %arg5[%arg0, %mul3A_69, %dma_start3A] : memref<2x10240x128xf32, #tpu.memory_space<hbm>> -> memref<1x640x128xf32, #tpu.memory_space<hbm>>
      %dma_start3A_75 = tpu.memref_squeeze %dma_start3A_74 : memref<1x640x128xf32, #tpu.memory_space<hbm>> -> memref<640x128xf32, #tpu.memory_space<hbm>>
      %dma_start3A_76 = arith.constant 0 : i32
      %dma_start3A_77 = tpu.memref_slice %arg10[%mul3A_67, %dma_start3A_76] : memref<10240x128xf32, #tpu.memory_space<vmem_shared>> -> memref<640x128xf32, #tpu.memory_space<vmem_shared>>
      tpu.enqueue_dma source(%dma_start3A_77 : memref<640x128xf32, #tpu.memory_space<vmem_shared>>) target(%dma_start3A_75 : memref<640x128xf32, #tpu.memory_space<hbm>>) target_semaphore(%run_scoped3A : memref<!tpu.dma_semaphore, #tpu.memory_space<semaphore_mem>>)
      %dma_wait3A = arith.constant 0 : i32
      %dma_wait3A_78 = tpu.memref_slice %arg5[%arg0, %mul3A_69, %dma_wait3A] : memref<2x10240x128xf32, #tpu.memory_space<hbm>> -> memref<1x640x128xf32, #tpu.memory_space<hbm>>
      %dma_wait3A_79 = tpu.memref_squeeze %dma_wait3A_78 : memref<1x640x128xf32, #tpu.memory_space<hbm>> -> memref<640x128xf32, #tpu.memory_space<hbm>>
      %dma_wait3A_80 = arith.constant 0 : i32
      %dma_wait3A_81 = tpu.memref_slice %arg10[%mul3A_67, %dma_wait3A_80] : memref<10240x128xf32, #tpu.memory_space<vmem_shared>> -> memref<640x128xf32, #tpu.memory_space<vmem_shared>>
      tpu.wait_dma2 semaphore(%run_scoped3A : memref<!tpu.dma_semaphore, #tpu.memory_space<semaphore_mem>>) src(%dma_wait3A_81 : memref<640x128xf32, #tpu.memory_space<vmem_shared>>) dst(%dma_wait3A_79 : memref<640x128xf32, #tpu.memory_space<hbm>>)
      tpu.yield
    }) : () -> ()
    %mul3A_70 = arith.constant 640 : i32
    %mul3A_71 = arith.muli %arg1, %mul3A_70 : i32
    %mul3A_72 = arith.constant 640 : i32
    %mul3A_73 = arith.muli %arg1, %mul3A_72 : i32
    "tpu.region"() ({
      %run_scoped3A = tpu.sem_alloc : memref<!tpu.dma_semaphore, #tpu.memory_space<semaphore_mem>>
      %dma_start3A = tpu.memref_slice %arg6[%arg0, %mul3A_73] : memref<2x10240xf32, #tpu.memory_space<hbm>> -> memref<1x640xf32, #tpu.memory_space<hbm>>
      %dma_start3A_74 = tpu.memref_squeeze %dma_start3A : memref<1x640xf32, #tpu.memory_space<hbm>> -> memref<640xf32, #tpu.memory_space<hbm>>
      %dma_start3A_75 = tpu.memref_slice %arg15[%mul3A_71] : memref<10240xf32, #tpu.memory_space<vmem_shared>> -> memref<640xf32, #tpu.memory_space<vmem_shared>>
      tpu.enqueue_dma source(%dma_start3A_75 : memref<640xf32, #tpu.memory_space<vmem_shared>>) target(%dma_start3A_74 : memref<640xf32, #tpu.memory_space<hbm>>) target_semaphore(%run_scoped3A : memref<!tpu.dma_semaphore, #tpu.memory_space<semaphore_mem>>)
      %dma_wait3A = tpu.memref_slice %arg6[%arg0, %mul3A_73] : memref<2x10240xf32, #tpu.memory_space<hbm>> -> memref<1x640xf32, #tpu.memory_space<hbm>>
      %dma_wait3A_76 = tpu.memref_squeeze %dma_wait3A : memref<1x640xf32, #tpu.memory_space<hbm>> -> memref<640xf32, #tpu.memory_space<hbm>>
      %dma_wait3A_77 = tpu.memref_slice %arg15[%mul3A_71] : memref<10240xf32, #tpu.memory_space<vmem_shared>> -> memref<640xf32, #tpu.memory_space<vmem_shared>>
      tpu.wait_dma2 semaphore(%run_scoped3A : memref<!tpu.dma_semaphore, #tpu.memory_space<semaphore_mem>>) src(%dma_wait3A_77 : memref<640xf32, #tpu.memory_space<vmem_shared>>) dst(%dma_wait3A_76 : memref<640xf32, #tpu.memory_space<hbm>>)
      tpu.yield
    }) : () -> ()
    return
  }
}

module attributes {stable_mosaic.version = 14 : i64} {
  func.func @body(%arg0: i32, %arg1: memref<400x128xf32, #tpu.memory_space<vmem>>, %arg2: memref<128x128xf32, #tpu.memory_space<vmem>>, %arg3: memref<128x128xf32, #tpu.memory_space<vmem>>, %arg4: memref<400x128xf32, #tpu.memory_space<vmem>>, %arg5: memref<400x128xf32, #tpu.memory_space<vmem>>) attributes {dimension_semantics = [#tpu.dimension_semantics<arbitrary>], iteration_bounds = array<i64: 25>, scalar_prefetch = 0 : i64, scratch_operands = 0 : i64, tpu.core_type = #tpu.core_type<tc>, window_params = [{transform_indices = @transform_0, window_bounds = array<i64: 400, 128>}, {pipeline_mode = #tpu.pipeline_mode<synchronous>, transform_indices = @transform_1, window_bounds = array<i64: 128, 128>}, {pipeline_mode = #tpu.pipeline_mode<synchronous>, transform_indices = @transform_2, window_bounds = array<i64: 128, 128>}, {transform_indices = @transform_3, window_bounds = array<i64: 400, 128>}, {transform_indices = @transform_4, window_bounds = array<i64: 400, 128>}]} {
    %get3A = arith.constant 0 : index
    %get3A_0 = arith.constant 0 : index
    %get3A_1 = vector.load %arg1[%get3A, %get3A_0] : memref<400x128xf32, #tpu.memory_space<vmem>>, vector<400x128xf32>
    %get3A_2 = arith.constant 0 : index
    %get3A_3 = arith.constant 0 : index
    %get3A_4 = vector.load %arg2[%get3A_2, %get3A_3] : memref<128x128xf32, #tpu.memory_space<vmem>>, vector<128x128xf32>
    %dot_general3A = arith.constant dense<0.000000e+00> : vector<400x128xf32>
    %dot_general3A_5 = tpu.matmul %get3A_1, %get3A_4, %dot_general3A {dimension_numbers = #tpu.dot_dimension_numbers<[1], [0], [0], [1], [0, 0, 1, 1], [], []>, transpose_lhs_hint = false} : vector<400x128xf32>, vector<128x128xf32>, vector<400x128xf32> -> vector<400x128xf32>
    %swap3A = arith.constant 0 : index
    %swap3A_6 = arith.constant 0 : index
    %swap3A_7 = vector.load %arg4[%swap3A, %swap3A_6] : memref<400x128xf32, #tpu.memory_space<vmem>>, vector<400x128xf32>
    tpu.vector_store %arg4[%swap3A, %swap3A_6], %dot_general3A_5 {strides = array<i32>} : memref<400x128xf32, #tpu.memory_space<vmem>>, vector<400x128xf32>,
    %get3A_8 = arith.constant 0 : index
    %get3A_9 = arith.constant 0 : index
    %get3A_10 = vector.load %arg3[%get3A_8, %get3A_9] : memref<128x128xf32, #tpu.memory_space<vmem>>, vector<128x128xf32>
    %dot_general3A_11 = arith.constant dense<0.000000e+00> : vector<400x128xf32>
    %dot_general3A_12 = tpu.matmul %get3A_1, %get3A_10, %dot_general3A_11 {dimension_numbers = #tpu.dot_dimension_numbers<[1], [0], [0], [1], [0, 0, 1, 1], [], []>, transpose_lhs_hint = false} : vector<400x128xf32>, vector<128x128xf32>, vector<400x128xf32> -> vector<400x128xf32>
    %swap3A_13 = arith.constant 0 : index
    %swap3A_14 = arith.constant 0 : index
    %swap3A_15 = vector.load %arg5[%swap3A_13, %swap3A_14] : memref<400x128xf32, #tpu.memory_space<vmem>>, vector<400x128xf32>
    tpu.vector_store %arg5[%swap3A_13, %swap3A_14], %dot_general3A_12 {strides = array<i32>} : memref<400x128xf32, #tpu.memory_space<vmem>>, vector<400x128xf32>,
    return
  }
  func.func @transform_0(%arg0: i32) -> (i32, i32) {
    %c0_i32 = arith.constant 0 : i32
    %c0_i32_0 = arith.constant 0 : i32
    return %arg0, %c0_i32 : i32, i32
  }
  func.func @transform_1(%arg0: i32) -> (i32, i32) {
    %c0_i32 = arith.constant 0 : i32
    %c0_i32_0 = arith.constant 0 : i32
    %c0_i32_1 = arith.constant 0 : i32
    return %c0_i32, %c0_i32_0 : i32, i32
  }
  func.func @transform_2(%arg0: i32) -> (i32, i32) {
    %c0_i32 = arith.constant 0 : i32
    %c0_i32_0 = arith.constant 0 : i32
    %c0_i32_1 = arith.constant 0 : i32
    return %c0_i32, %c0_i32_0 : i32, i32
  }
  func.func @transform_3(%arg0: i32) -> (i32, i32) {
    %c0_i32 = arith.constant 0 : i32
    %c0_i32_0 = arith.constant 0 : i32
    return %arg0, %c0_i32 : i32, i32
  }
  func.func @transform_4(%arg0: i32) -> (i32, i32) {
    %c0_i32 = arith.constant 0 : i32
    %c0_i32_0 = arith.constant 0 : i32
    return %arg0, %c0_i32 : i32, i32
  }
}

module attributes {stable_mosaic.version = 14 : i64} {
  func.func @body(%arg0: i32, %arg1: memref<2x400x128xf32, #tpu.memory_space<vmem>>, %arg2: memref<2x400x1xf32, #tpu.memory_space<vmem>>, %arg3: memref<400x128xf32, #tpu.memory_space<vmem>>, %arg4: memref<1x128xf32, #tpu.memory_space<vmem>>, %arg5: memref<128x128xf32, #tpu.memory_space<vmem>>, %arg6: memref<128x128xf32, #tpu.memory_space<vmem>>, %arg7: memref<400x128xf32, #tpu.memory_space<vmem>>, %arg8: memref<400x128xf32, #tpu.memory_space<vmem>>) attributes {dimension_semantics = [#tpu.dimension_semantics<arbitrary>], iteration_bounds = array<i64: 25>, scalar_prefetch = 0 : i64, scratch_operands = 0 : i64, tpu.core_type = #tpu.core_type<tc>, window_params = [{transform_indices = @transform_0, window_bounds = array<i64: 2, 400, 128>}, {transform_indices = @transform_1, window_bounds = array<i64: 2, 400, 1>}, {transform_indices = @transform_2, window_bounds = array<i64: 400, 128>}, {pipeline_mode = #tpu.pipeline_mode<synchronous>, transform_indices = @transform_3, window_bounds = array<i64: 1, 128>}, {pipeline_mode = #tpu.pipeline_mode<synchronous>, transform_indices = @transform_4, window_bounds = array<i64: 128, 128>}, {pipeline_mode = #tpu.pipeline_mode<synchronous>, transform_indices = @transform_5, window_bounds = array<i64: 128, 128>}, {transform_indices = @transform_6, window_bounds = array<i64: 400, 128>}, {transform_indices = @transform_7, window_bounds = array<i64: 400, 128>}]} {
    %get3A = arith.constant 0 : index
    %get3A_0 = arith.constant 0 : index
    %get3A_1 = arith.constant 0 : index
    %get3A_2 = vector.load %arg1[%get3A, %get3A_0, %get3A_1] : memref<2x400x128xf32, #tpu.memory_space<vmem>>, vector<1x400x128xf32>
    %get3A_3 = vector.shape_cast %get3A_2 : vector<1x400x128xf32> to vector<400x128xf32>
    %get3A_4 = arith.constant 1 : index
    %get3A_5 = arith.constant 0 : index
    %get3A_6 = arith.constant 0 : index
    %get3A_7 = vector.load %arg1[%get3A_4, %get3A_5, %get3A_6] : memref<2x400x128xf32, #tpu.memory_space<vmem>>, vector<1x400x128xf32>
    %get3A_8 = vector.shape_cast %get3A_7 : vector<1x400x128xf32> to vector<400x128xf32>
    %add3A = arith.addf %get3A_3, %get3A_8 : vector<400x128xf32>
    %get3A_9 = arith.constant 0 : index
    %get3A_10 = arith.constant 0 : index
    %get3A_11 = arith.constant 0 : index
    %get3A_12 = vector.load %arg2[%get3A_9, %get3A_10, %get3A_11] : memref<2x400x1xf32, #tpu.memory_space<vmem>>, vector<1x400x1xf32>
    %get3A_13 = vector.shape_cast %get3A_12 : vector<1x400x1xf32> to vector<400x1xf32>
    %get3A_14 = arith.constant 1 : index
    %get3A_15 = arith.constant 0 : index
    %get3A_16 = arith.constant 0 : index
    %get3A_17 = vector.load %arg2[%get3A_14, %get3A_15, %get3A_16] : memref<2x400x1xf32, #tpu.memory_space<vmem>>, vector<1x400x1xf32>
    %get3A_18 = vector.shape_cast %get3A_17 : vector<1x400x1xf32> to vector<400x1xf32>
    %add3A_19 = arith.addf %get3A_13, %get3A_18 : vector<400x1xf32>
    %jit3A = arith.constant 1.000000e+00 : f32
    %max3A = vector.broadcast %jit3A : f32 to vector<400x1xf32>
    %max3A_20 = arith.maximumf %max3A, %add3A_19 : vector<400x1xf32>
    %div3A = vector.broadcast %max3A_20 : vector<400x1xf32> to vector<400x128xf32>
    %div3A_21 = arith.divf %add3A, %div3A : vector<400x128xf32>
    %get3A_22 = arith.constant 0 : index
    %get3A_23 = arith.constant 0 : index
    %get3A_24 = vector.load %arg3[%get3A_22, %get3A_23] : memref<400x128xf32, #tpu.memory_space<vmem>>, vector<400x128xf32>
    %add3A_25 = arith.addf %div3A_21, %get3A_24 : vector<400x128xf32>
    %get3A_26 = arith.constant 0 : index
    %get3A_27 = arith.constant 0 : index
    %get3A_28 = vector.load %arg4[%get3A_26, %get3A_27] : memref<1x128xf32, #tpu.memory_space<vmem>>, vector<1x128xf32>
    %add3A_29 = vector.broadcast %get3A_28 : vector<1x128xf32> to vector<400x128xf32>
    %add3A_30 = arith.addf %add3A_25, %add3A_29 : vector<400x128xf32>
    %max3A_31 = arith.constant 0.000000e+00 : f32
    %max3A_32 = vector.broadcast %max3A_31 : f32 to vector<400x128xf32>
    %max3A_33 = arith.maximumf %add3A_30, %max3A_32 : vector<400x128xf32>
    %get3A_34 = arith.constant 0 : index
    %get3A_35 = arith.constant 0 : index
    %get3A_36 = vector.load %arg5[%get3A_34, %get3A_35] : memref<128x128xf32, #tpu.memory_space<vmem>>, vector<128x128xf32>
    %dot_general3A = arith.constant dense<0.000000e+00> : vector<400x128xf32>
    %dot_general3A_37 = tpu.matmul %max3A_33, %get3A_36, %dot_general3A {dimension_numbers = #tpu.dot_dimension_numbers<[1], [0], [0], [1], [0, 0, 1, 1], [], []>, transpose_lhs_hint = false} : vector<400x128xf32>, vector<128x128xf32>, vector<400x128xf32> -> vector<400x128xf32>
    %swap3A = arith.constant 0 : index
    %swap3A_38 = arith.constant 0 : index
    %swap3A_39 = vector.load %arg7[%swap3A, %swap3A_38] : memref<400x128xf32, #tpu.memory_space<vmem>>, vector<400x128xf32>
    tpu.vector_store %arg7[%swap3A, %swap3A_38], %dot_general3A_37 {strides = array<i32>} : memref<400x128xf32, #tpu.memory_space<vmem>>, vector<400x128xf32>,
    %get3A_40 = arith.constant 0 : index
    %get3A_41 = arith.constant 0 : index
    %get3A_42 = vector.load %arg6[%get3A_40, %get3A_41] : memref<128x128xf32, #tpu.memory_space<vmem>>, vector<128x128xf32>
    %dot_general3A_43 = arith.constant dense<0.000000e+00> : vector<400x128xf32>
    %dot_general3A_44 = tpu.matmul %max3A_33, %get3A_42, %dot_general3A_43 {dimension_numbers = #tpu.dot_dimension_numbers<[1], [0], [0], [1], [0, 0, 1, 1], [], []>, transpose_lhs_hint = false} : vector<400x128xf32>, vector<128x128xf32>, vector<400x128xf32> -> vector<400x128xf32>
    %swap3A_45 = arith.constant 0 : index
    %swap3A_46 = arith.constant 0 : index
    %swap3A_47 = vector.load %arg8[%swap3A_45, %swap3A_46] : memref<400x128xf32, #tpu.memory_space<vmem>>, vector<400x128xf32>
    tpu.vector_store %arg8[%swap3A_45, %swap3A_46], %dot_general3A_44 {strides = array<i32>} : memref<400x128xf32, #tpu.memory_space<vmem>>, vector<400x128xf32>,
    return
  }
  func.func @transform_0(%arg0: i32) -> (i32, i32, i32) {
    %c0_i32 = arith.constant 0 : i32
    %c0_i32_0 = arith.constant 0 : i32
    %c0_i32_1 = arith.constant 0 : i32
    return %c0_i32, %arg0, %c0_i32_0 : i32, i32, i32
  }
  func.func @transform_1(%arg0: i32) -> (i32, i32, i32) {
    %c0_i32 = arith.constant 0 : i32
    %c0_i32_0 = arith.constant 0 : i32
    %c0_i32_1 = arith.constant 0 : i32
    return %c0_i32, %arg0, %c0_i32_0 : i32, i32, i32
  }
  func.func @transform_2(%arg0: i32) -> (i32, i32) {
    %c0_i32 = arith.constant 0 : i32
    %c0_i32_0 = arith.constant 0 : i32
    return %arg0, %c0_i32 : i32, i32
  }
  func.func @transform_3(%arg0: i32) -> (i32, i32) {
    %c0_i32 = arith.constant 0 : i32
    %c0_i32_0 = arith.constant 0 : i32
    %c0_i32_1 = arith.constant 0 : i32
    return %c0_i32, %c0_i32_0 : i32, i32
  }
  func.func @transform_4(%arg0: i32) -> (i32, i32) {
    %c0_i32 = arith.constant 0 : i32
    %c0_i32_0 = arith.constant 0 : i32
    %c0_i32_1 = arith.constant 0 : i32
    return %c0_i32, %c0_i32_0 : i32, i32
  }
  func.func @transform_5(%arg0: i32) -> (i32, i32) {
    %c0_i32 = arith.constant 0 : i32
    %c0_i32_0 = arith.constant 0 : i32
    %c0_i32_1 = arith.constant 0 : i32
    return %c0_i32, %c0_i32_0 : i32, i32
  }
  func.func @transform_6(%arg0: i32) -> (i32, i32) {
    %c0_i32 = arith.constant 0 : i32
    %c0_i32_0 = arith.constant 0 : i32
    return %arg0, %c0_i32 : i32, i32
  }
  func.func @transform_7(%arg0: i32) -> (i32, i32) {
    %c0_i32 = arith.constant 0 : i32
    %c0_i32_0 = arith.constant 0 : i32
    return %arg0, %c0_i32 : i32, i32
  }
}

module attributes {stable_mosaic.version = 14 : i64} {
  func.func @body(%arg0: i32, %arg1: memref<2x400x128xf32, #tpu.memory_space<vmem>>, %arg2: memref<2x400x1xf32, #tpu.memory_space<vmem>>, %arg3: memref<400x128xf32, #tpu.memory_space<vmem>>, %arg4: memref<1x128xf32, #tpu.memory_space<vmem>>, %arg5: memref<128x1xf32, #tpu.memory_space<vmem>>, %arg6: memref<1x1xf32, #tpu.memory_space<vmem>>, %arg7: memref<1x1xf32, #tpu.memory_space<vmem>>, %arg8: memref<1x128xf32, #tpu.memory_space<vmem>>) attributes {dimension_semantics = [#tpu.dimension_semantics<arbitrary>], iteration_bounds = array<i64: 25>, scalar_prefetch = 0 : i64, scratch_operands = 1 : i64, tpu.core_type = #tpu.core_type<tc>, window_params = [{transform_indices = @transform_0, window_bounds = array<i64: 2, 400, 128>}, {transform_indices = @transform_1, window_bounds = array<i64: 2, 400, 1>}, {transform_indices = @transform_2, window_bounds = array<i64: 400, 128>}, {pipeline_mode = #tpu.pipeline_mode<synchronous>, transform_indices = @transform_3, window_bounds = array<i64: 1, 128>}, {pipeline_mode = #tpu.pipeline_mode<synchronous>, transform_indices = @transform_4, window_bounds = array<i64: 128, 1>}, {pipeline_mode = #tpu.pipeline_mode<synchronous>, transform_indices = @transform_5, window_bounds = array<i64: 1, 1>}, {pipeline_mode = #tpu.pipeline_mode<synchronous>, transform_indices = @transform_6, window_bounds = array<i64: 1, 1>}]} {
    %get3A = arith.constant 0 : index
    %get3A_0 = arith.constant 0 : index
    %get3A_1 = arith.constant 0 : index
    %get3A_2 = vector.load %arg1[%get3A, %get3A_0, %get3A_1] : memref<2x400x128xf32, #tpu.memory_space<vmem>>, vector<1x400x128xf32>
    %get3A_3 = vector.shape_cast %get3A_2 : vector<1x400x128xf32> to vector<400x128xf32>
    %get3A_4 = arith.constant 1 : index
    %get3A_5 = arith.constant 0 : index
    %get3A_6 = arith.constant 0 : index
    %get3A_7 = vector.load %arg1[%get3A_4, %get3A_5, %get3A_6] : memref<2x400x128xf32, #tpu.memory_space<vmem>>, vector<1x400x128xf32>
    %get3A_8 = vector.shape_cast %get3A_7 : vector<1x400x128xf32> to vector<400x128xf32>
    %add3A = arith.addf %get3A_3, %get3A_8 : vector<400x128xf32>
    %get3A_9 = arith.constant 0 : index
    %get3A_10 = arith.constant 0 : index
    %get3A_11 = arith.constant 0 : index
    %get3A_12 = vector.load %arg2[%get3A_9, %get3A_10, %get3A_11] : memref<2x400x1xf32, #tpu.memory_space<vmem>>, vector<1x400x1xf32>
    %get3A_13 = vector.shape_cast %get3A_12 : vector<1x400x1xf32> to vector<400x1xf32>
    %get3A_14 = arith.constant 1 : index
    %get3A_15 = arith.constant 0 : index
    %get3A_16 = arith.constant 0 : index
    %get3A_17 = vector.load %arg2[%get3A_14, %get3A_15, %get3A_16] : memref<2x400x1xf32, #tpu.memory_space<vmem>>, vector<1x400x1xf32>
    %get3A_18 = vector.shape_cast %get3A_17 : vector<1x400x1xf32> to vector<400x1xf32>
    %add3A_19 = arith.addf %get3A_13, %get3A_18 : vector<400x1xf32>
    %jit3A = arith.constant 1.000000e+00 : f32
    %max3A = vector.broadcast %jit3A : f32 to vector<400x1xf32>
    %max3A_20 = arith.maximumf %max3A, %add3A_19 : vector<400x1xf32>
    %div3A = vector.broadcast %max3A_20 : vector<400x1xf32> to vector<400x128xf32>
    %div3A_21 = arith.divf %add3A, %div3A : vector<400x128xf32>
    %get3A_22 = arith.constant 0 : index
    %get3A_23 = arith.constant 0 : index
    %get3A_24 = vector.load %arg3[%get3A_22, %get3A_23] : memref<400x128xf32, #tpu.memory_space<vmem>>, vector<400x128xf32>
    %add3A_25 = arith.addf %div3A_21, %get3A_24 : vector<400x128xf32>
    %get3A_26 = arith.constant 0 : index
    %get3A_27 = arith.constant 0 : index
    %get3A_28 = vector.load %arg4[%get3A_26, %get3A_27] : memref<1x128xf32, #tpu.memory_space<vmem>>, vector<1x128xf32>
    %add3A_29 = vector.broadcast %get3A_28 : vector<1x128xf32> to vector<400x128xf32>
    %add3A_30 = arith.addf %add3A_25, %add3A_29 : vector<400x128xf32>
    %max3A_31 = arith.constant 0.000000e+00 : f32
    %max3A_32 = vector.broadcast %max3A_31 : f32 to vector<400x128xf32>
    %max3A_33 = arith.maximumf %add3A_30, %max3A_32 : vector<400x128xf32>
    %reduce_sum3A = arith.constant dense<0.000000e+00> : vector<128xf32>
    %reduce_sum3A_34 = vector.multi_reduction <add>, %max3A_33, %reduce_sum3A [0] : vector<400x128xf32> to vector<128xf32>
    %broadcast_in_dim3A = vector.shape_cast %reduce_sum3A_34 : vector<128xf32> to vector<1x128xf32>
    %eq3A = arith.constant 0 : i32
    %eq3A_35 = arith.cmpi eq, %arg0, %eq3A : i32
    %convert_element_type3A = arith.extui %eq3A_35 : i1 to i32
    %cond3A = arith.constant 0 : i32
    %cond3A_36 = arith.cmpi ne, %convert_element_type3A, %cond3A : i32
    scf.if %cond3A_36 {
      %broadcast_in_dim3A_48 = arith.constant 0.000000e+00 : f32
      %broadcast_in_dim3A_49 = vector.broadcast %broadcast_in_dim3A_48 : f32 to vector<1x128xf32>
      %swap3A_50 = arith.constant 0 : index
      %swap3A_51 = arith.constant 0 : index
      %swap3A_52 = vector.load %arg8[%swap3A_50, %swap3A_51] : memref<1x128xf32, #tpu.memory_space<vmem>>, vector<1x128xf32>
      tpu.vector_store %arg8[%swap3A_50, %swap3A_51], %broadcast_in_dim3A_49 {strides = array<i32>} : memref<1x128xf32, #tpu.memory_space<vmem>>, vector<1x128xf32>,
    } else {
    }
    %get3A_37 = arith.constant 0 : index
    %get3A_38 = arith.constant 0 : index
    %get3A_39 = vector.load %arg8[%get3A_37, %get3A_38] : memref<1x128xf32, #tpu.memory_space<vmem>>, vector<1x128xf32>
    %add3A_40 = arith.addf %get3A_39, %broadcast_in_dim3A : vector<1x128xf32>
    %swap3A = arith.constant 0 : index
    %swap3A_41 = arith.constant 0 : index
    %swap3A_42 = vector.load %arg8[%swap3A, %swap3A_41] : memref<1x128xf32, #tpu.memory_space<vmem>>, vector<1x128xf32>
    tpu.vector_store %arg8[%swap3A, %swap3A_41], %add3A_40 {strides = array<i32>} : memref<1x128xf32, #tpu.memory_space<vmem>>, vector<1x128xf32>,
    %eq3A_43 = arith.constant 24 : i32
    %eq3A_44 = arith.cmpi eq, %arg0, %eq3A_43 : i32
    %convert_element_type3A_45 = arith.extui %eq3A_44 : i1 to i32
    %cond3A_46 = arith.constant 0 : i32
    %cond3A_47 = arith.cmpi ne, %convert_element_type3A_45, %cond3A_46 : i32
    scf.if %cond3A_47 {
      %get3A_48 = arith.constant 0 : index
      %get3A_49 = arith.constant 0 : index
      %get3A_50 = vector.load %arg8[%get3A_48, %get3A_49] : memref<1x128xf32, #tpu.memory_space<vmem>>, vector<1x128xf32>
      %mul3A = arith.constant 9.99999974E-5 : f32
      %mul3A_51 = vector.broadcast %mul3A : f32 to vector<1x128xf32>
      %mul3A_52 = arith.mulf %get3A_50, %mul3A_51 : vector<1x128xf32>
      %get3A_53 = arith.constant 0 : index
      %get3A_54 = arith.constant 0 : index
      %get3A_55 = vector.load %arg5[%get3A_53, %get3A_54] : memref<128x1xf32, #tpu.memory_space<vmem>>, vector<128x1xf32>
      %dot_general3A = arith.constant dense<0.000000e+00> : vector<1x1xf32>
      %dot_general3A_56 = tpu.matmul %mul3A_52, %get3A_55, %dot_general3A {dimension_numbers = #tpu.dot_dimension_numbers<[1], [0], [0], [1], [0, 0, 1, 1], [], []>, transpose_lhs_hint = false} : vector<1x128xf32>, vector<128x1xf32>, vector<1x1xf32> -> vector<1x1xf32>
      %get3A_57 = arith.constant 0 : index
      %get3A_58 = arith.constant 0 : index
      %get3A_59 = vector.load %arg6[%get3A_57, %get3A_58] : memref<1x1xf32, #tpu.memory_space<vmem>>, vector<1x1xf32>
      %add3A_60 = arith.addf %dot_general3A_56, %get3A_59 : vector<1x1xf32>
      %swap3A_61 = arith.constant 0 : index
      %swap3A_62 = arith.constant 0 : index
      %swap3A_63 = vector.load %arg7[%swap3A_61, %swap3A_62] : memref<1x1xf32, #tpu.memory_space<vmem>>, vector<1x1xf32>
      tpu.vector_store %arg7[%swap3A_61, %swap3A_62], %add3A_60 {strides = array<i32>} : memref<1x1xf32, #tpu.memory_space<vmem>>, vector<1x1xf32>,
    } else {
    }
    return
  }
  func.func @transform_0(%arg0: i32) -> (i32, i32, i32) {
    %c0_i32 = arith.constant 0 : i32
    %c0_i32_0 = arith.constant 0 : i32
    %c0_i32_1 = arith.constant 0 : i32
    return %c0_i32, %arg0, %c0_i32_0 : i32, i32, i32
  }
  func.func @transform_1(%arg0: i32) -> (i32, i32, i32) {
    %c0_i32 = arith.constant 0 : i32
    %c0_i32_0 = arith.constant 0 : i32
    %c0_i32_1 = arith.constant 0 : i32
    return %c0_i32, %arg0, %c0_i32_0 : i32, i32, i32
  }
  func.func @transform_2(%arg0: i32) -> (i32, i32) {
    %c0_i32 = arith.constant 0 : i32
    %c0_i32_0 = arith.constant 0 : i32
    return %arg0, %c0_i32 : i32, i32
  }
  func.func @transform_3(%arg0: i32) -> (i32, i32) {
    %c0_i32 = arith.constant 0 : i32
    %c0_i32_0 = arith.constant 0 : i32
    %c0_i32_1 = arith.constant 0 : i32
    return %c0_i32, %c0_i32_0 : i32, i32
  }
  func.func @transform_4(%arg0: i32) -> (i32, i32) {
    %c0_i32 = arith.constant 0 : i32
    %c0_i32_0 = arith.constant 0 : i32
    %c0_i32_1 = arith.constant 0 : i32
    return %c0_i32, %c0_i32_0 : i32, i32
  }
  func.func @transform_5(%arg0: i32) -> (i32, i32) {
    %c0_i32 = arith.constant 0 : i32
    %c0_i32_0 = arith.constant 0 : i32
    %c0_i32_1 = arith.constant 0 : i32
    return %c0_i32, %c0_i32_0 : i32, i32
  }
  func.func @transform_6(%arg0: i32) -> (i32, i32) {
    %c0_i32 = arith.constant 0 : i32
    %c0_i32_0 = arith.constant 0 : i32
    %c0_i32_1 = arith.constant 0 : i32
    return %c0_i32, %c0_i32_0 : i32, i32
  }
}

</mosaic_0001>

<sc_bundles>
// kernel: kernel.10.cloned.1.call-start
scs
__scs_entry_jumppad:
0x0: {  	(pc) =	sbr.rel $0x88, $3  }
0x1: {  	(tag) =	ssettag $0x0;
	lr =	simm.s32 $0x1  }
0x2: {  	[smem:$0x3F97] =	sst lr;
	_ =	strace $0xD0000000  }
0x3: {  	_ = 	snop  }
0x4: {  	_ = 	snop  }
0x5: {  	_ = 	snop  }
0x6: {  	_ = 	snop  }
0x7: {  	_ = 	snop  }
__scs_overlays_trampoline_lowered:
0x8: {  	[smem:$0x3FA6] =	sst s0  }
0x9: {  	[smem:$0x3FA7] =	sst s1  }
0xa: {  	[smem:$0x3FA8] =	sst s2  }
0xb: {  	[smem:$0x3FA9] =	sst s3  }
0xc: {  	[smem:$0x3FAA] =	sst s4  }
0xd: {  	[smem:$0x3FAB] =	sst s5  }
0xe: {  	[smem:$0x3FAC] =	sst s6  }
0xf: {  	[smem:$0x3FAD] =	sst s7  }
0x10: {  	[smem:$0x3FAE] =	sst s8  }
0x11: {  	[smem:$0x3FAF] =	sst s9;
	s0 =	simm.s32 @!p0 $0x0  }
0x12: {  	s1 =	sld [smem:$0x3F95];
	s0 =	simm.s32 @p0 $0x1  }
0x13: {  	[smem:$0x3FB0] =	sst s0;
	s0 =	simm.s32 @!p1 $0x0  }
0x14: {  	s2 =	sld [smem:$0x3F94];
	s0 =	simm.s32 @p1 $0x1  }
0x15: {  	[smem:$0x3FB1] =	sst s0;
	s0 =	simm.s32 @!p2 $0x0  }
0x16: {  	s3 =	sld [smem:$0x3FDB];
	s0 =	simm.s32 @p2 $0x1  }
0x17: {  	s4 =	simm.s32 $0x1BF5;
	[smem:$0x3FB3] =	sst s0  }
0x18: {  	s0 =	sld [smem:$0x3F96];
	_ =	swait.ge [sflag:s4], $0x0  }
0x19: {  	s7 =	sld [smem:$0x3F97]  }
0x1a: {  	s8 =	sadd.s32 $0xFFFFE003, lr  }
0x1b: {  	s9 =	sadd.s32 $0xFFFFFEF7, lr;
	s5 =	simm.s32 $0xFFFFFFFF;
	p2 =	slt.u32 s8, $0xFFFFF086  }
0x1c: {  	p1 =	slt.u32 s9, $0xF7A;
	s5 =	simm.s32 @!p2 $0x0  }
0x1d: {  	s5 =	simm.s32 @p1 $0x1;
	p0 =	seq.s32 s7, s2  }
0x1e: {  	s7 =	smul.u32 @!p0 $0xF7A, s2;
	p2 =	seq.s32 @!p0 s5, $0x0  }
0x1f: {  	s9 =	smul.u32 $0xF7A, s1;
	s8 =	simm.s32 @!p0 $0x1BF5;
	p2 =	por !p2, p0  }
0x20: {  	[sflag:s8] =	ssyncset.s32 @!p0 $0xFFFFF086;
	s6 =	sadd.s32 @!p0 s3, s7;
	s7 =	simm.s32 @!p0 $0x108  }
0x21: {  	s3 =	sadd.s32 s3, s9;
	s6 =	sadd.s32 @!p0 $0x88, s6;
	s7 =	simm.s32 @p2 $0x1082  }
0x22: {  	[simem:s7], [sflag:s8] =	dma.local @!p0 [hbm:s6], $0xF7A  }
0x23: {  	s9 =	sor.u32 $0xD0000000, s2;
	s6 =	simm.s32 $0x108;
	_ =	swait.ge @!p0 [sflag:s8], $0x0  }
0x24: {  	s3 =	sadd.s32 $0x88, s3;
	s6 =	simm.s32 @!p1 $0x1082;
	[sflag:s4] =	ssyncset.s32 $0xFFFFF086  }
0x25: {  	[simem:s6], [sflag:s4] =	dma.local [hbm:s3], $0xF7A  }
0x26: {  	[smem:$0x3F97] =	sst s1;
	(tag) =	ssettag s2;
	_ =	strace s9  }
0x27: {  	s1 =	sld [smem:$0x3FA7]  }
0x28: {  	s2 =	sld [smem:$0x3FA8]  }
0x29: {  	s4 =	sld [smem:$0x3FAA]  }
0x2a: {  	p0 =	seq.s32 s5, $0x0;
	s5 =	sld [smem:$0x3FAB]  }
0x2b: {  	s6 =	sld [smem:$0x3FAC]  }
0x2c: {  	s7 =	sld [smem:$0x3FAD]  }
0x2d: {  	s3 =	simm.s32 $0x108;
	s8 =	sld [smem:$0x3FAE]  }
0x2e: {  	s3 =	simm.s32 @!p0 $0x1082;
	s9 =	sld [smem:$0x3FAF]  }
0x2f: {  	lr =	sadd.s32 s0, s3;
	s0 =	sld [smem:$0x3FA6]  }
0x30: {  	s3 =	sld [smem:$0x3FA9]  }
0x31: {  	[smem:$0x3FB2] =	sst s10  }
0x32: {  	s10 =	sld [smem:$0x3FB0];
	_ =	sdelay $0x3  }
0x33: {  	p0 =	seq.s32 s10, $0x1;
	s10 =	sld [smem:$0x3FB2];
	_ =	sdelay $0x3  }
0x34: {  	[smem:$0x3FB2] =	sst s10  }
0x35: {  	s10 =	sld [smem:$0x3FB1];
	_ =	sdelay $0x3  }
0x36: {  	p1 =	seq.s32 s10, $0x1;
	s10 =	sld [smem:$0x3FB2];
	_ =	sdelay $0x3  }
0x37: {  	[smem:$0x3FB2] =	sst s10  }
0x38: {  	s10 =	sld [smem:$0x3FB3]  }
0x39: {  	_ = 	snop;
	(pc) =	sbr.ind lr, $3  }
0x3a: {  	_ = 	snop  }
0x3b: {  	_ = 	snop  }
0x3c: {  	p2 =	seq.s32 s10, $0x1;
	s10 =	sld [smem:$0x3FB2]  }
0x3d: {  	_ =	shalt  }
0x3e: {  	_ =	shalt  }
0x3f: {  	_ =	shalt  }
0x40: {  	_ =	shalt  }
0x41: {  	_ =	shalt  }
0x42: {  	_ =	shalt  }
0x43: {  	_ =	shalt  }
0x44: {  	_ =	shalt  }
0x45: {  	_ =	shalt  }
0x46: {  	_ =	shalt  }
0x47: {  	_ =	shalt  }
0x48: {  	_ =	shalt  }
0x49: {  	_ =	shalt  }
0x4a: {  	_ =	shalt  }
0x4b: {  	_ =	shalt  }
0x4c: {  	_ =	shalt  }
0x4d: {  	_ =	shalt  }
0x4e: {  	_ =	shalt  }
0x4f: {  	_ =	shalt  }
0x50: {  	_ =	shalt  }
0x51: {  	_ =	shalt  }
0x52: {  	_ =	shalt  }
0x53: {  	_ =	shalt  }
0x54: {  	_ =	shalt  }
0x55: {  	_ =	shalt  }
0x56: {  	_ =	shalt  }
0x57: {  	_ =	shalt  }
0x58: {  	_ =	shalt  }
0x59: {  	_ =	shalt  }
0x5a: {  	_ =	shalt  }
0x5b: {  	_ =	shalt  }
0x5c: {  	_ =	shalt  }
0x5d: {  	_ =	shalt  }
0x5e: {  	_ =	shalt  }
0x5f: {  	_ =	shalt  }
0x60: {  	_ =	shalt  }
0x61: {  	_ =	shalt  }
0x62: {  	_ =	shalt  }
0x63: {  	_ =	shalt  }
0x64: {  	_ =	shalt  }
0x65: {  	_ =	shalt  }
0x66: {  	_ =	shalt  }
0x67: {  	_ =	shalt  }
0x68: {  	_ =	shalt  }
0x69: {  	_ =	shalt  }
0x6a: {  	_ =	shalt  }
0x6b: {  	_ =	shalt  }
0x6c: {  	_ =	shalt  }
0x6d: {  	_ =	shalt  }
0x6e: {  	_ =	shalt  }
0x6f: {  	_ =	shalt  }
0x70: {  	_ =	shalt  }
0x71: {  	_ =	shalt  }
0x72: {  	_ =	shalt  }
0x73: {  	_ =	shalt  }
0x74: {  	_ =	shalt  }
0x75: {  	_ =	shalt  }
0x76: {  	_ =	shalt  }
0x77: {  	_ =	shalt  }
0x78: {  	_ =	shalt  }
0x79: {  	_ =	shalt  }
0x7a: {  	_ =	shalt  }
0x7b: {  	_ =	shalt  }
0x7c: {  	_ =	shalt  }
0x7d: {  	_ =	shalt  }
0x7e: {  	_ =	shalt  }
0x7f: {  	_ =	shalt  }
0x80: {  	_ =	shalt  }
0x81: {  	_ =	shalt  }
0x82: {  	_ =	shalt  }
0x83: {  	_ =	shalt  }
0x84: {  	_ =	shalt  }
0x85: {  	_ =	shalt  }
0x86: {  	_ =	shalt  }
0x87: {  	_ =	shalt  }
.Lfunc_end0:
.L_simem_size_0:
called_computation.1_lowered:
.L_overlay_start_0:
0x88: {  	s2 =	sld [smem:$0x3FD9]  }
0x89: {  	s3 =	sld [smem:$0x3FFE];
	_ =	sdelay $0x1  }
0x8a: {  	s1 =	srdreg.scid  }
0x8b: {  	s0 =	sand.u32 $0x1, s1  }
0x8c: {  	s16 =	sshll.u32 s0, $0xA;
	s2 =	sadd.s32 s3, s2  }
0x8d: {  	s2 =	sadd.s32 s2, s16  }
0x8e: {  	[smem:$0x3FBE] =	sst s2  }
0x8f: {  	_ = 	snop  }
0x90: {  	(tm) =	ssettm $0x1  }
0x91: {  	s17 =	sld [smem:$0x3FFB];
	_ =	sdelay $0x3  }
0x92: {  	_ =	strace s17  }
0x93: {  	s2 =	sld [smem:$0x3FFC];
	_ =	sdelay $0x3  }
0x94: {  	_ =	strace s2  }
0x95: {  	s2 =	sld [smem:$0x3FFD];
	_ =	sdelay $0x3  }
0x96: {  	_ =	strace s2  }
0x97: {  	_ =	strace $0x8FFFFFFF  }
0x98: {  	s18 =	sld [smem:$0x3FDB];
	_ =	sdelay $0x1  }
0x99: {  	s19 =	simm.s32 $_scs_section_size  }
0x9a: {  	s4 =	simm.s32 $_size__tile_overlayer_lowered;
	s5 =	simm.s32 $_tile_overlayer_lowered  }
0x9b: {  	s22 =	simm.s32 $0x1BFF;
	s21 =	sshll.u32 s5, $0x1;
	s2 =	sadd.s32 s19, s18  }
0x9c: {  	s6 =	simm.s32 $0x0;
	s20 =	sshll.u32 s4, $0x1;
	s4 =	sadd.s32 s21, s2  }
0x9d: {  	[timem:s6], [sflag:s22] =	dma.local [hbm:s4], s20  }
0x9e: {  	_ =	swait.ge [sflag:s22], s20  }
0x9f: {  	s3 =	ssub.s32 $0x0, s20;
	[sflag:s22] =	ssyncset.done $0x0  }
0xa0: {  	[sflag:s22] =	ssyncadd.s32 s3;
	_ =	sdelay $0x1  }
0xa1: {  	s23 =	simm.s32 $0x1B8B  }
0xa2: {  	_ =	swait.ge [sflag:s23], $0x1  }
0xa3: {  	[sflag:s23] =	ssyncset.done $0x0  }
0xa4: {  	s25 =	simm.s32 $0x1B8E;
	s24 =	sld [smem:$0x3FFE];
	[sflag:s23] =	ssyncadd.s32 $0xFFFFFFFF  }
0xa5: {  	s26 =	simm.s32 $execute0_lowered;
	[smem:$0x3FD2] =	sst s25  }
0xa6: {  	s4 =	sshll.u32 s26, $0x1;
	_ =	strace $0x80000049;
	[dreg:$0x1] =	wrdreg $0xFFFFFFFF  }
0xa7: {  	s28 =	simm.s32 $_size_execute0_lowered;
	s2 =	sadd.s32 s2, s4;
	[dreg:$0x0] =	wrdreg $0x0  }
0xa8: {  	s4 =	sshll.u32 s28, $0x1;
	[dreg:$0x2] =	wrdreg s2  }
0xa9: {  	[dreg:$0x3] =	wrdreg s4  }
0xaa: {  	[dreg:$0x4] =	wrdreg $0xC0  }
0xab: {  	_ =	task [dreg:s6], $0x5FFFF  }
0xac: {  	[dreg:$0x1] =	wrdreg $0xFFFFFFFF  }
0xad: {  	[dreg:$0x0] =	wrdreg $0x60  }
0xae: {  	[dreg:$0x2] =	wrdreg s24  }
0xaf: {  	[dreg:$0x3] =	wrdreg $0xA8000  }
0xb0: {  	[dreg:$0x4] =	wrdreg $0x9  }
0xb1: {  	_ =	task.clear_ibuf [dreg:s6], $0x5FFFF;
	_ =	strace $0x90000049  }
0xb2: {  	s29 =	simm.s32 $0x9;
	_ =	strace $0x8000004B  }
0xb3: {  	_ =	swait.ge [sflag:s29], $0x1  }
0xb4: {  	[sflag:s29] =	ssyncadd.s32 $0xFFFFFFFF  }
0xb5: {  	_ =	strace $0x9000004B  }
0xb6: {  	_ =	sfence  }
0xb7: {  	s30 =	sld [smem:$0x0];
	_ =	sdelay $0x2  }
0xb8: {  	s31 =	sshll.u32 s1, $0xD;
	s1 =	sshrl.u32 s1, $0x2  }
0xb9: {  	s3 =	sand.u32 $0x4000, s31;
	s1 =	sadd.s32 s1, s30  }
0xba: {  	s0 =	sor.u32 s3, s0;
	s1 =	sshll.u32 s1, $0x11  }
0xbb: {  	s0 =	sor.u32 s1, s0  }
0xbc: {  	s0 =	sadd.s32 $0x8F2B, s0  }
0xbd: {  	[sflag:s0] =	ssyncadd.remote.s32 $0x1  }
0xbe: {  	_ =	sfence.sel $0xFFFF  }
0xbf: {  	[dreg:$0x0] =	wrdreg $0xFFFFFFFF;
	(pc) =	sbr.abs _section_cstart, $3  }
0xc0: {  	[dreg:$0x1] =	wrdreg $0xFFFFFFFF  }
0xc1: {  	_ =	task.clear_ibuf [dreg:s6], $0x2FFFF;
	_ =	strace $0x9FFFFFFF  }
0xc2: {  	(tm) =	ssettm $0x7FFFFFFF  }
0xc3: {  	_ =	shalt  }
tec
execute0_lowered:
.L_overlay_start_1:
0x0: {  	(tag) =	ssettag $0x1  }
0x1: {  	s5 =	rddreg [dreg:$0x0]  }
0x2: {  	s1 =	rddreg [dreg:$0x1]  }
0x3: {  	s0 =	rddreg [dreg:$0x2]  }
0x4: {  	s3 =	simm.s32 $0x0;
	s2 =	srdreg.scid;
	s17 =	simm.s32 $0x8000  }
0x5: {  	s18 =	simm.s32 $0x3;
	s19 =	simm.s32 $0x4000;
	s20 =	simm.s32 $0x50  }
0x6: {  	s21 =	simm.s32 $0x1;
	[smem:$0x7FF] =	sst s3;
	s6 =	sand.u32 $0x1, s2  }
0x7: {  	s22 =	simm.s32 $0x2;
	s2 =	stileid.u32;
	s7 =	smul.u32 $0x140000, s6  }
0x8: {  	s4 =	sshll.u32 s2, $0xC;
	s8 =	sshll.u32 s6, $0xB;
	s9 =	smul.u32 $0x14000, s2  }
0x9: {  	_ =	strace $0x8000004A;
	s10 =	smul.u32 $0x50000, s2;
	s6 =	ssub.s32 $0x2, s6  }
0xa: {  	s8 =	sor.u32 s8, s4;
	s4 =	sadd.s32 $0x21E00, s5;
	s31 =	sshrl.u32 s6, $0x1  }
0xb: {  	s14 =	sadd.s32 s8, s5;
	s7 =	sadd.s32 s9, s7;
	s30 =	sshrl.u32 s10, $0x2  }
0xc: {  	s16 =	ssub.s32 s6, s31;
	s7 =	sshrl.u32 s7, $0x3;
	s13 =	sadd.s32 $0x1E00, s14  }
0xd: {  	s14 =	sadd.s32 $0x11E00, s14;
	s15 =	sadd.s32 s7, s5;
	s5 =	sadd.s32 s30, s1  }
0xe: {  	s16 =	smax.u32 s16, $0x1;
	s6 =	sadd.s32 $0x2800, s5;
	s7 =	sadd.s32 $0x5000, s5  }
0xf: {  	s8 =	sadd.s32 $0x7800, s5;
	s9 =	sadd.s32 $0xA000, s5;
	s10 =	sadd.s32 $0xC800, s5  }
0x10: {  	v0 =	vimm.f32 $0.0e+00;
	s11 =	sadd.s32 $0xF000, s5;
	s12 =	sadd.s32 $0x11800, s5;
	s15 =	sadd.s32 $0x49000, s15  }
.LBB2_1:
0x11: {  	s23 =	simm.s32 $0x70;
	s24 =	simm.s32 $0x3C0  }
.LBB2_2:
0x12: {  	p0 =	sne.s32 s24, $0x9FC0;
	[tilespmem:s23+$0x8000] =	vst v0  }
0x13: {  	[tilespmem:s23+$0x7F90] =	vst v0  }
0x14: {  	[tilespmem:s23+$0x7FA0] =	vst v0  }
.Ltmp0:
0x15: {  	[tilespmem:s23+$0x7FB0] =	vst v0;
	(pc) =	sbr.rel @p0 .LBB2_2-.Ltmp0, $4  }
0x16: {  	[tilespmem:s23+$0x7FC0] =	vst v0  }
0x17: {  	[tilespmem:s23+$0x7FD0] =	vst v0  }
0x18: {  	[tilespmem:s23+$0x7FE0] =	vst v0  }
0x19: {  	[tilespmem:s23+$0x7FF0] =	vst v0;
	s23 =	sshra.s32 s24, $0x2;
	s24 =	sadd.s32 $0x200, s24  }
0x1a: {  	[tilespmem:s23+$0x8000] =	vst v0  }
0x1b: {  	[tilespmem:s23+$0x7F90] =	vst v0  }
0x1c: {  	[tilespmem:s23+$0x7FA0] =	vst v0  }
0x1d: {  	[tilespmem:s23+$0x7FB0] =	vst v0  }
0x1e: {  	[tilespmem:s23+$0x7FC0] =	vst v0  }
0x1f: {  	[tilespmem:s23+$0x7FD0] =	vst v0  }
0x20: {  	[tilespmem:s23+$0x7FE0] =	vst v0  }
0x21: {  	[tilespmem:s23+$0x7FF0] =	vst v0  }
0x22: {  	[spmem:s5] =	stream.linear.scatter [tilespmem:s17], [sflag:$0x3], $0x2800, $0x38;
	[tilespmem:$0x1E800] =	vst v63  }
0x23: {  	_ =	swait.ge [sflag:s18], $0x2800  }
0x24: {  	[sflag:s18] =	ssyncset.done $0x0  }
0x25: {  	[sflag:s18] =	ssyncadd.s32 $0xFFFFD800  }
0x26: {  	[spmem:s6] =	stream.linear.scatter [tilespmem:s17], [sflag:$0x3], $0x2800, $0x38;
	[tilespmem:$0x1E800] =	vst v63  }
0x27: {  	_ =	swait.ge [sflag:s18], $0x2800  }
0x28: {  	[sflag:s18] =	ssyncset.done $0x0  }
0x29: {  	[sflag:s18] =	ssyncadd.s32 $0xFFFFD800  }
0x2a: {  	[spmem:s7] =	stream.linear.scatter [tilespmem:s17], [sflag:$0x3], $0x2800, $0x38;
	[tilespmem:$0x1E800] =	vst v63  }
0x2b: {  	_ =	swait.ge [sflag:s18], $0x2800  }
0x2c: {  	[sflag:s18] =	ssyncset.done $0x0  }
0x2d: {  	[sflag:s18] =	ssyncadd.s32 $0xFFFFD800  }
0x2e: {  	[spmem:s8] =	stream.linear.scatter [tilespmem:s17], [sflag:$0x3], $0x2800, $0x38;
	[tilespmem:$0x1E800] =	vst v63  }
0x2f: {  	_ =	swait.ge [sflag:s18], $0x2800  }
0x30: {  	[sflag:s18] =	ssyncset.done $0x0  }
0x31: {  	[sflag:s18] =	ssyncadd.s32 $0xFFFFD800  }
0x32: {  	[spmem:s9] =	stream.linear.scatter [tilespmem:s17], [sflag:$0x3], $0x2800, $0x38;
	[tilespmem:$0x1E800] =	vst v63  }
0x33: {  	_ =	swait.ge [sflag:s18], $0x2800  }
0x34: {  	[sflag:s18] =	ssyncset.done $0x0  }
0x35: {  	[sflag:s18] =	ssyncadd.s32 $0xFFFFD800  }
0x36: {  	[spmem:s10] =	stream.linear.scatter [tilespmem:s17], [sflag:$0x3], $0x2800, $0x38;
	[tilespmem:$0x1E800] =	vst v63  }
0x37: {  	_ =	swait.ge [sflag:s18], $0x2800  }
0x38: {  	[sflag:s18] =	ssyncset.done $0x0  }
0x39: {  	[sflag:s18] =	ssyncadd.s32 $0xFFFFD800  }
0x3a: {  	[spmem:s11] =	stream.linear.scatter [tilespmem:s17], [sflag:$0x3], $0x2800, $0x38;
	[tilespmem:$0x1E800] =	vst v63  }
0x3b: {  	_ =	swait.ge [sflag:s18], $0x2800  }
0x3c: {  	[sflag:s18] =	ssyncset.done $0x0  }
0x3d: {  	[sflag:s18] =	ssyncadd.s32 $0xFFFFD800  }
0x3e: {  	[spmem:s12] =	stream.linear.scatter [tilespmem:s17], [sflag:$0x3], $0x2800, $0x38;
	[tilespmem:$0x1E800] =	vst v63  }
0x3f: {  	_ =	swait.ge [sflag:s18], $0x2800  }
0x40: {  	[sflag:s18] =	ssyncset.done $0x0  }
0x41: {  	s29 =	simm.s32 $0x0;
	[sflag:s18] =	ssyncadd.s32 $0xFFFFD800  }
0x42: {  	[tilespmem:s29], [sflag:$0x3] =	stream.linear.gather [hbm4b:s13+s29], $0x3E80, $0x38;
	[tilespmem:$0x1E800] =	vst v63  }
0x43: {  	_ =	swait.ge [sflag:s18], $0x3E80  }
0x44: {  	[sflag:s18] =	ssyncset.done $0x0  }
0x45: {  	[sflag:s18] =	ssyncadd.s32 $0xFFFFC180  }
0x46: {  	[tilespmem:s19], [sflag:$0x3] =	stream.linear.gather [hbm4b:s14+s29], $0x3E80, $0x38;
	[tilespmem:$0x1E800] =	vst v63  }
0x47: {  	_ =	swait.ge [sflag:s18], $0x3E80  }
0x48: {  	[sflag:s18] =	ssyncset.done $0x0  }
0x49: {  	[sflag:s18] =	ssyncadd.s32 $0xFFFFC180  }
0x4a: {  	s30 =	simm.s32 $0x0;
	[bflag:$0x0] =	sbarrier.arrive $0xFFFF  }
0x4b: {  	[tilespmem:s17], [sflag:$0x1] =	stream.indirect.gather [hbm4b:s4+s20], $0x80, s30, s20, $0xb8;
	[tilespmem:$0x1E800] =	vst v63  }
0x4c: {  	_ =	swait.ge [sflag:s21], $0x2800  }
0x4d: {  	[sflag:s21] =	ssyncset.done $0x0  }
0x4e: {  	s31 =	simm.s32 $0x4000;
	[sflag:s21] =	ssyncadd.s32 $0xFFFFD800  }
0x4f: {  	[spmem:s1] =	stream.indirect.scatter.add.f32 [tilespmem:s17], [sflag:$0x2], $0x80, s31, s20, $0xb8;
	[tilespmem:$0x1E800] =	vst v63  }
0x50: {  	_ =	swait.ge [sflag:s22], $0x2800  }
0x51: {  	s23 =	simm.s32 $0x200;
	s24 =	simm.s32 $0x400;
	[sflag:s22] =	ssyncset.done $0x0  }
.LBB2_4:
0x52: {  	s25 =	sshra.s32 s23, $0x2  }
0x53: {  	[sflag:s22] =	ssyncadd.s32 $0xFFFFD800;
	s23 =	smov.u32 s24;
	s26 =	sadd.s32 $0x200, s24  }
0x54: {  	[tilespmem:s17], [sflag:$0x1] =	stream.indirect.gather [hbm4b:s4+s20], $0x80, s25, s20, $0xb8;
	[tilespmem:$0x1E800] =	vst v63  }
0x55: {  	p0 =	sne.s32 s24, $0xF800;
	_ =	swait.ge [sflag:s21], $0x2800  }
.Ltmp1:
0x56: {  	[sflag:s21] =	ssyncset.done $0x0;
	(pc) =	sbr.rel @p0 .LBB2_4-.Ltmp1, $4  }
0x57: {  	s24 =	sadd.s32 $0x4000, s25;
	[sflag:s21] =	ssyncadd.s32 $0xFFFFD800  }
0x58: {  	[spmem:s1] =	stream.indirect.scatter.add.f32 [tilespmem:s17], [sflag:$0x2], $0x80, s24, s20, $0xb8;
	[tilespmem:$0x1E800] =	vst v63  }
0x59: {  	_ =	swait.ge [sflag:s22], $0x2800  }
0x5a: {  	s24 =	smov.u32 s26;
	[sflag:s22] =	ssyncset.done $0x0  }
0x5b: {  	s23 =	sshra.s32 s23, $0x2;
	[sflag:s22] =	ssyncadd.s32 $0xFFFFD800  }
0x5c: {  	[tilespmem:s17], [sflag:$0x1] =	stream.indirect.gather [hbm4b:s4+s20], $0x80, s23, s20, $0xb8;
	[tilespmem:$0x1E800] =	vst v63  }
0x5d: {  	_ =	swait.ge [sflag:s21], $0x2800  }
0x5e: {  	[sflag:s21] =	ssyncset.done $0x0  }
0x5f: {  	s23 =	sadd.s32 $0x4000, s23;
	[sflag:s21] =	ssyncadd.s32 $0xFFFFD800  }
0x60: {  	[spmem:s1] =	stream.indirect.scatter.add.f32 [tilespmem:s17], [sflag:$0x2], $0x80, s23, s20, $0xb8;
	[tilespmem:$0x1E800] =	vst v63  }
0x61: {  	_ =	swait.ge [sflag:s22], $0x2800  }
0x62: {  	s31 =	sshll.u32 s2, $0x6;
	s3 =	sadd.s32 $0x1, s3;
	[sflag:s22] =	ssyncset.done $0x0  }
0x63: {  	s24 =	sshrl.u32 s5, $0x3;
	p0 =	sne.s32 s3, s16;
	[sflag:s22] =	ssyncadd.s32 $0xFFFFD800  }
.Ltmp2:
0x64: {  	s23 =	sor.u32 $0x1C03, s31;
	[bflag:$0x0] =	sbarrier.arrive $0xFFFF;
	(pc) =	sbr.rel @p0 .LBB2_1-.Ltmp2, $4  }
0x65: {  	[hbm:s15], [sflag:s23] =	dma.local [spmem:s24], $0x2800  }
0x66: {  	_ =	swait.ge [sflag:s18], $0x2800  }
0x67: {  	[sflag:s18] =	ssyncset.done $0x0  }
0x68: {  	[sflag:s18] =	ssyncadd.s32 $0xFFFFD800  }
0x69: {  	_ =	sfence.sel $0x180000  }
0x6a: {  	[bflag:$0x0] =	sbarrier.arrive $0xFFFF  }
0x6b: {  	p0 =	sne.s32 s2, $0x0;
	_ =	strace $0x9000004A  }
0x6c: {  	s0 =	sadd.s32 @!p0 $0x100000, s0;
	[bflag:$0x2] =	sbarrier.arrive $0xFFFF  }
0x6d: {  	[sflag:s0] =	ssyncadd.tile.s32 @!p0 $0x1;
	_ =	shalt  }
.Lfunc_end2:
_tile_overlayer_lowered:
.L_overlay_start_2:
0x6e: {  	(tag) =	ssettag $0x2  }
0x6f: {  	s0 =	rddreg [dreg:$0x0];
	s2 =	stileid.u32  }
0x70: {  	s1 =	rddreg [dreg:$0x1];
	p0 =	sne.s32 s2, $0x0  }
0x71: {  	s3 =	rddreg [dreg:$0x2];
	[bflag:$0x3] =	sbarrier.arrive $0xFFFF;
	s2 =	simm.s32 @!p0 $0x1C03  }
0x72: {  	[timem:s3], [sflag:s2] =	dma.local @!p0 [hbm:s0], s1  }
0x73: {  	s0 =	simm.s32 @!p0 $0x3  }
0x74: {  	_ =	swait.ge @!p0 [sflag:s0], s1  }
0x75: {  	s1 =	ssub.s32 @!p0 $0x0, s1;
	[sflag:s0] =	ssyncset.done @!p0 $0x0  }
0x76: {  	[sflag:s0] =	ssyncadd.s32 @!p0 s1  }
0x77: {  	[bflag:$0x3] =	sbarrier.arrive $0xFFFF  }
0x78: {  	_ =	shalt  }

// kernel: kernel.7.cloned.1.call-start
scs
__scs_entry_jumppad:
0x0: {  	(pc) =	sbr.rel $0x88, $3  }
0x1: {  	(tag) =	ssettag $0x0;
	lr =	simm.s32 $0x1  }
0x2: {  	[smem:$0x3F97] =	sst lr;
	_ =	strace $0xD0000000  }
0x3: {  	_ = 	snop  }
0x4: {  	_ = 	snop  }
0x5: {  	_ = 	snop  }
0x6: {  	_ = 	snop  }
0x7: {  	_ = 	snop  }
__scs_overlays_trampoline_lowered:
0x8: {  	[smem:$0x3FA6] =	sst s0  }
0x9: {  	[smem:$0x3FA7] =	sst s1  }
0xa: {  	[smem:$0x3FA8] =	sst s2  }
0xb: {  	[smem:$0x3FA9] =	sst s3  }
0xc: {  	[smem:$0x3FAA] =	sst s4  }
0xd: {  	[smem:$0x3FAB] =	sst s5  }
0xe: {  	[smem:$0x3FAC] =	sst s6  }
0xf: {  	[smem:$0x3FAD] =	sst s7  }
0x10: {  	[smem:$0x3FAE] =	sst s8  }
0x11: {  	[smem:$0x3FAF] =	sst s9;
	s0 =	simm.s32 @!p0 $0x0  }
0x12: {  	s1 =	sld [smem:$0x3F95];
	s0 =	simm.s32 @p0 $0x1  }
0x13: {  	[smem:$0x3FB0] =	sst s0;
	s0 =	simm.s32 @!p1 $0x0  }
0x14: {  	s2 =	sld [smem:$0x3F94];
	s0 =	simm.s32 @p1 $0x1  }
0x15: {  	[smem:$0x3FB1] =	sst s0;
	s0 =	simm.s32 @!p2 $0x0  }
0x16: {  	s3 =	sld [smem:$0x3FDB];
	s0 =	simm.s32 @p2 $0x1  }
0x17: {  	s4 =	simm.s32 $0x1BF5;
	[smem:$0x3FB3] =	sst s0  }
0x18: {  	s0 =	sld [smem:$0x3F96];
	_ =	swait.ge [sflag:s4], $0x0  }
0x19: {  	s7 =	sld [smem:$0x3F97]  }
0x1a: {  	s8 =	sadd.s32 $0xFFFFE003, lr  }
0x1b: {  	s9 =	sadd.s32 $0xFFFFFEF7, lr;
	s5 =	simm.s32 $0xFFFFFFFF;
	p2 =	slt.u32 s8, $0xFFFFF086  }
0x1c: {  	p1 =	slt.u32 s9, $0xF7A;
	s5 =	simm.s32 @!p2 $0x0  }
0x1d: {  	s5 =	simm.s32 @p1 $0x1;
	p0 =	seq.s32 s7, s2  }
0x1e: {  	s7 =	smul.u32 @!p0 $0xF7A, s2;
	p2 =	seq.s32 @!p0 s5, $0x0  }
0x1f: {  	s9 =	smul.u32 $0xF7A, s1;
	s8 =	simm.s32 @!p0 $0x1BF5;
	p2 =	por !p2, p0  }
0x20: {  	[sflag:s8] =	ssyncset.s32 @!p0 $0xFFFFF086;
	s6 =	sadd.s32 @!p0 s3, s7;
	s7 =	simm.s32 @!p0 $0x108  }
0x21: {  	s3 =	sadd.s32 s3, s9;
	s6 =	sadd.s32 @!p0 $0x88, s6;
	s7 =	simm.s32 @p2 $0x1082  }
0x22: {  	[simem:s7], [sflag:s8] =	dma.local @!p0 [hbm:s6], $0xF7A  }
0x23: {  	s9 =	sor.u32 $0xD0000000, s2;
	s6 =	simm.s32 $0x108;
	_ =	swait.ge @!p0 [sflag:s8], $0x0  }
0x24: {  	s3 =	sadd.s32 $0x88, s3;
	s6 =	simm.s32 @!p1 $0x1082;
	[sflag:s4] =	ssyncset.s32 $0xFFFFF086  }
0x25: {  	[simem:s6], [sflag:s4] =	dma.local [hbm:s3], $0xF7A  }
0x26: {  	[smem:$0x3F97] =	sst s1;
	(tag) =	ssettag s2;
	_ =	strace s9  }
0x27: {  	s1 =	sld [smem:$0x3FA7]  }
0x28: {  	s2 =	sld [smem:$0x3FA8]  }
0x29: {  	s4 =	sld [smem:$0x3FAA]  }
0x2a: {  	p0 =	seq.s32 s5, $0x0;
	s5 =	sld [smem:$0x3FAB]  }
0x2b: {  	s6 =	sld [smem:$0x3FAC]  }
0x2c: {  	s7 =	sld [smem:$0x3FAD]  }
0x2d: {  	s3 =	simm.s32 $0x108;
	s8 =	sld [smem:$0x3FAE]  }
0x2e: {  	s3 =	simm.s32 @!p0 $0x1082;
	s9 =	sld [smem:$0x3FAF]  }
0x2f: {  	lr =	sadd.s32 s0, s3;
	s0 =	sld [smem:$0x3FA6]  }
0x30: {  	s3 =	sld [smem:$0x3FA9]  }
0x31: {  	[smem:$0x3FB2] =	sst s10  }
0x32: {  	s10 =	sld [smem:$0x3FB0];
	_ =	sdelay $0x3  }
0x33: {  	p0 =	seq.s32 s10, $0x1;
	s10 =	sld [smem:$0x3FB2];
	_ =	sdelay $0x3  }
0x34: {  	[smem:$0x3FB2] =	sst s10  }
0x35: {  	s10 =	sld [smem:$0x3FB1];
	_ =	sdelay $0x3  }
0x36: {  	p1 =	seq.s32 s10, $0x1;
	s10 =	sld [smem:$0x3FB2];
	_ =	sdelay $0x3  }
0x37: {  	[smem:$0x3FB2] =	sst s10  }
0x38: {  	s10 =	sld [smem:$0x3FB3]  }
0x39: {  	_ = 	snop;
	(pc) =	sbr.ind lr, $3  }
0x3a: {  	_ = 	snop  }
0x3b: {  	_ = 	snop  }
0x3c: {  	p2 =	seq.s32 s10, $0x1;
	s10 =	sld [smem:$0x3FB2]  }
0x3d: {  	_ =	shalt  }
0x3e: {  	_ =	shalt  }
0x3f: {  	_ =	shalt  }
0x40: {  	_ =	shalt  }
0x41: {  	_ =	shalt  }
0x42: {  	_ =	shalt  }
0x43: {  	_ =	shalt  }
0x44: {  	_ =	shalt  }
0x45: {  	_ =	shalt  }
0x46: {  	_ =	shalt  }
0x47: {  	_ =	shalt  }
0x48: {  	_ =	shalt  }
0x49: {  	_ =	shalt  }
0x4a: {  	_ =	shalt  }
0x4b: {  	_ =	shalt  }
0x4c: {  	_ =	shalt  }
0x4d: {  	_ =	shalt  }
0x4e: {  	_ =	shalt  }
0x4f: {  	_ =	shalt  }
0x50: {  	_ =	shalt  }
0x51: {  	_ =	shalt  }
0x52: {  	_ =	shalt  }
0x53: {  	_ =	shalt  }
0x54: {  	_ =	shalt  }
0x55: {  	_ =	shalt  }
0x56: {  	_ =	shalt  }
0x57: {  	_ =	shalt  }
0x58: {  	_ =	shalt  }
0x59: {  	_ =	shalt  }
0x5a: {  	_ =	shalt  }
0x5b: {  	_ =	shalt  }
0x5c: {  	_ =	shalt  }
0x5d: {  	_ =	shalt  }
0x5e: {  	_ =	shalt  }
0x5f: {  	_ =	shalt  }
0x60: {  	_ =	shalt  }
0x61: {  	_ =	shalt  }
0x62: {  	_ =	shalt  }
0x63: {  	_ =	shalt  }
0x64: {  	_ =	shalt  }
0x65: {  	_ =	shalt  }
0x66: {  	_ =	shalt  }
0x67: {  	_ =	shalt  }
0x68: {  	_ =	shalt  }
0x69: {  	_ =	shalt  }
0x6a: {  	_ =	shalt  }
0x6b: {  	_ =	shalt  }
0x6c: {  	_ =	shalt  }
0x6d: {  	_ =	shalt  }
0x6e: {  	_ =	shalt  }
0x6f: {  	_ =	shalt  }
0x70: {  	_ =	shalt  }
0x71: {  	_ =	shalt  }
0x72: {  	_ =	shalt  }
0x73: {  	_ =	shalt  }
0x74: {  	_ =	shalt  }
0x75: {  	_ =	shalt  }
0x76: {  	_ =	shalt  }
0x77: {  	_ =	shalt  }
0x78: {  	_ =	shalt  }
0x79: {  	_ =	shalt  }
0x7a: {  	_ =	shalt  }
0x7b: {  	_ =	shalt  }
0x7c: {  	_ =	shalt  }
0x7d: {  	_ =	shalt  }
0x7e: {  	_ =	shalt  }
0x7f: {  	_ =	shalt  }
0x80: {  	_ =	shalt  }
0x81: {  	_ =	shalt  }
0x82: {  	_ =	shalt  }
0x83: {  	_ =	shalt  }
0x84: {  	_ =	shalt  }
0x85: {  	_ =	shalt  }
0x86: {  	_ =	shalt  }
0x87: {  	_ =	shalt  }
.Lfunc_end0:
.L_simem_size_0:
called_computation_lowered:
.L_overlay_start_0:
0x88: {  	s2 =	sld [smem:$0x3FD9]  }
0x89: {  	s3 =	sld [smem:$0x3FFE];
	_ =	sdelay $0x1  }
0x8a: {  	s1 =	srdreg.scid  }
0x8b: {  	s0 =	sand.u32 $0x1, s1  }
0x8c: {  	s16 =	sshll.u32 s0, $0xA;
	s2 =	sadd.s32 s3, s2  }
0x8d: {  	s2 =	sadd.s32 s2, s16  }
0x8e: {  	[smem:$0x3FBE] =	sst s2  }
0x8f: {  	_ = 	snop  }
0x90: {  	(tm) =	ssettm $0x1  }
0x91: {  	s17 =	sld [smem:$0x3FFB];
	_ =	sdelay $0x3  }
0x92: {  	_ =	strace s17  }
0x93: {  	s2 =	sld [smem:$0x3FFC];
	_ =	sdelay $0x3  }
0x94: {  	_ =	strace s2  }
0x95: {  	s2 =	sld [smem:$0x3FFD];
	_ =	sdelay $0x3  }
0x96: {  	_ =	strace s2  }
0x97: {  	_ =	strace $0x8FFFFFFF  }
0x98: {  	s18 =	sld [smem:$0x3FDB];
	_ =	sdelay $0x1  }
0x99: {  	s19 =	simm.s32 $_scs_section_size  }
0x9a: {  	s4 =	simm.s32 $_size__tile_overlayer_lowered;
	s5 =	simm.s32 $_tile_overlayer_lowered  }
0x9b: {  	s22 =	simm.s32 $0x1BFF;
	s21 =	sshll.u32 s5, $0x1;
	s2 =	sadd.s32 s19, s18  }
0x9c: {  	s6 =	simm.s32 $0x0;
	s20 =	sshll.u32 s4, $0x1;
	s4 =	sadd.s32 s21, s2  }
0x9d: {  	[timem:s6], [sflag:s22] =	dma.local [hbm:s4], s20  }
0x9e: {  	_ =	swait.ge [sflag:s22], s20  }
0x9f: {  	s3 =	ssub.s32 $0x0, s20;
	[sflag:s22] =	ssyncset.done $0x0  }
0xa0: {  	[sflag:s22] =	ssyncadd.s32 s3;
	_ =	sdelay $0x1  }
0xa1: {  	s23 =	simm.s32 $0x1B8B  }
0xa2: {  	_ =	swait.ge [sflag:s23], $0x1  }
0xa3: {  	[sflag:s23] =	ssyncset.done $0x0  }
0xa4: {  	s25 =	simm.s32 $0x1B8E;
	s24 =	sld [smem:$0x3FFE];
	[sflag:s23] =	ssyncadd.s32 $0xFFFFFFFF  }
0xa5: {  	s26 =	simm.s32 $execute0_lowered;
	[smem:$0x3FD2] =	sst s25  }
0xa6: {  	s4 =	sshll.u32 s26, $0x1;
	_ =	strace $0x80000046;
	[dreg:$0x1] =	wrdreg $0xFFFFFFFF  }
0xa7: {  	s28 =	simm.s32 $_size_execute0_lowered;
	s2 =	sadd.s32 s2, s4;
	[dreg:$0x0] =	wrdreg $0x0  }
0xa8: {  	s4 =	sshll.u32 s28, $0x1;
	[dreg:$0x2] =	wrdreg s2  }
0xa9: {  	[dreg:$0x3] =	wrdreg s4  }
0xaa: {  	[dreg:$0x4] =	wrdreg $0xC0  }
0xab: {  	_ =	task [dreg:s6], $0x5FFFF  }
0xac: {  	[dreg:$0x1] =	wrdreg $0xFFFFFFFF  }
0xad: {  	[dreg:$0x0] =	wrdreg $0x60  }
0xae: {  	[dreg:$0x2] =	wrdreg s24  }
0xaf: {  	[dreg:$0x3] =	wrdreg $0xA8000  }
0xb0: {  	[dreg:$0x4] =	wrdreg $0x1EB000  }
0xb1: {  	[dreg:$0x5] =	wrdreg $0x9  }
0xb2: {  	_ =	task.clear_ibuf [dreg:s6], $0x6FFFF;
	_ =	strace $0x90000046  }
0xb3: {  	s29 =	simm.s32 $0x9;
	_ =	strace $0x80000048  }
0xb4: {  	_ =	swait.ge [sflag:s29], $0x1  }
0xb5: {  	[sflag:s29] =	ssyncadd.s32 $0xFFFFFFFF  }
0xb6: {  	_ =	strace $0x90000048  }
0xb7: {  	_ =	sfence  }
0xb8: {  	s30 =	sld [smem:$0x0];
	_ =	sdelay $0x2  }
0xb9: {  	s31 =	sshll.u32 s1, $0xD;
	s1 =	sshrl.u32 s1, $0x2  }
0xba: {  	s3 =	sand.u32 $0x4000, s31;
	s1 =	sadd.s32 s1, s30  }
0xbb: {  	s0 =	sor.u32 s3, s0;
	s1 =	sshll.u32 s1, $0x11  }
0xbc: {  	s0 =	sor.u32 s1, s0  }
0xbd: {  	s0 =	sadd.s32 $0x8F2B, s0  }
0xbe: {  	[sflag:s0] =	ssyncadd.remote.s32 $0x1  }
0xbf: {  	_ =	sfence.sel $0xFFFF  }
0xc0: {  	[dreg:$0x0] =	wrdreg $0xFFFFFFFF;
	(pc) =	sbr.abs _section_cstart, $3  }
0xc1: {  	[dreg:$0x1] =	wrdreg $0xFFFFFFFF  }
0xc2: {  	_ =	task.clear_ibuf [dreg:s6], $0x2FFFF;
	_ =	strace $0x9FFFFFFF  }
0xc3: {  	(tm) =	ssettm $0x7FFFFFFF  }
tec
execute0_lowered:
.L_overlay_start_1:
0x0: {  	(tag) =	ssettag $0x1  }
0x1: {  	s0 =	rddreg [dreg:$0x0]  }
0x2: {  	s1 =	rddreg [dreg:$0x1]  }
0x3: {  	s2 =	rddreg [dreg:$0x2]  }
0x4: {  	s4 =	simm.s32 $0x0;
	s3 =	srdreg.scid;
	s11 =	stileid.u32  }
0x5: {  	s20 =	simm.s32 $0x8000;
	s21 =	simm.s32 $0x4;
	s7 =	smul.u32 $0x14000, s11  }
0x6: {  	s28 =	simm.s32 $0x1E800;
	s29 =	simm.s32 $0x3;
	s22 =	smul.u32 $0x500, s11  }
0x7: {  	s30 =	simm.s32 $0x20;
	s31 =	simm.s32 $0x10;
	s10 =	smul.u32 $0x50000, s11  }
0x8: {  	[smem:$0x7FF] =	sst s4;
	s3 =	sand.u32 $0x1, s3;
	s13 =	smul.u32 $0xA00, s11  }
0x9: {  	s5 =	sadd.s32 $0x21E00, s0;
	s8 =	sshll.u32 s11, $0xC;
	s6 =	smul.u32 $0x140000, s3  }
0xa: {  	_ =	strace $0x80000047;
	s9 =	sshll.u32 s3, $0xB;
	s23 =	sshll.u32 s3, $0x7  }
0xb: {  	s3 =	ssub.s32 $0x2, s3;
	s8 =	sor.u32 s9, s8;
	s24 =	sor.u32 s23, s22  }
0xc: {  	s25 =	sshrl.u32 s10, $0x2;
	s26 =	sshrl.u32 s3, $0x1;
	s14 =	sshrl.u32 s13, $0x2  }
0xd: {  	s6 =	sadd.s32 s7, s6;
	s16 =	sadd.s32 s8, s0;
	s3 =	ssub.s32 s3, s26  }
0xe: {  	s14 =	sadd.s32 s14, s2;
	s26 =	simm.s32 $0x2;
	s6 =	sshrl.u32 s6, $0x3  }
0xf: {  	s15 =	sadd.s32 $0x1E00, s16;
	s16 =	sadd.s32 $0x11E00, s16;
	s19 =	smax.u32 s3, $0x1  }
0x10: {  	s17 =	sadd.s32 s6, s0;
	s6 =	sshrl.u32 s24, $0x3;
	s24 =	simm.s32 $0x50  }
0x11: {  	s0 =	sadd.s32 s6, s0;
	s6 =	sadd.s32 s25, s1;
	s17 =	sadd.s32 $0x49A00, s17  }
0x12: {  	s25 =	simm.s32 $0x1;
	s7 =	sadd.s32 $0x2800, s6;
	s8 =	sadd.s32 $0x5000, s6  }
0x13: {  	s9 =	sadd.s32 $0x7800, s6;
	s10 =	sadd.s32 $0xA000, s6;
	s11 =	sadd.s32 $0xC800, s6  }
0x14: {  	v0 =	vimm.f32 $0.0e+00;
	v1 =	vimm.f32 $1.000000000e+00;
	s12 =	sadd.s32 $0xF000, s6;
	s13 =	sadd.s32 $0x11800, s6;
	s18 =	sadd.s32 $0x49000, s0  }
.LBB2_1:
0x15: {  	s0 =	simm.s32 $0x70;
	s3 =	simm.s32 $0x3C0  }
.LBB2_2:
0x16: {  	p0 =	sne.s32 s3, $0x9FC0;
	[tilespmem:s0+$0x8000] =	vst v0  }
0x17: {  	[tilespmem:s0+$0x7F90] =	vst v0  }
0x18: {  	[tilespmem:s0+$0x7FA0] =	vst v0  }
.Ltmp0:
0x19: {  	[tilespmem:s0+$0x7FB0] =	vst v0;
	(pc) =	sbr.rel @p0 .LBB2_2-.Ltmp0, $4  }
0x1a: {  	[tilespmem:s0+$0x7FC0] =	vst v0  }
0x1b: {  	[tilespmem:s0+$0x7FD0] =	vst v0  }
0x1c: {  	[tilespmem:s0+$0x7FE0] =	vst v0  }
0x1d: {  	[tilespmem:s0+$0x7FF0] =	vst v0;
	s0 =	sshra.s32 s3, $0x2;
	s3 =	sadd.s32 $0x200, s3  }
0x1e: {  	[tilespmem:s0+$0x8000] =	vst v0  }
0x1f: {  	[tilespmem:s0+$0x7F90] =	vst v0  }
0x20: {  	[tilespmem:s0+$0x7FA0] =	vst v0  }
0x21: {  	[tilespmem:s0+$0x7FB0] =	vst v0  }
0x22: {  	[tilespmem:s0+$0x7FC0] =	vst v0  }
0x23: {  	[tilespmem:s0+$0x7FD0] =	vst v0  }
0x24: {  	[tilespmem:s0+$0x7FE0] =	vst v0  }
0x25: {  	[tilespmem:s0+$0x7FF0] =	vst v0  }
0x26: {  	[spmem:s6] =	stream.linear.scatter [tilespmem:s20], [sflag:$0x4], $0x2800, $0x38;
	[tilespmem:$0x1ED80] =	vst v63  }
0x27: {  	_ =	swait.ge [sflag:s21], $0x2800  }
0x28: {  	[sflag:s21] =	ssyncset.done $0x0  }
0x29: {  	[sflag:s21] =	ssyncadd.s32 $0xFFFFD800  }
0x2a: {  	[spmem:s7] =	stream.linear.scatter [tilespmem:s20], [sflag:$0x4], $0x2800, $0x38;
	[tilespmem:$0x1ED80] =	vst v63  }
0x2b: {  	_ =	swait.ge [sflag:s21], $0x2800  }
0x2c: {  	[sflag:s21] =	ssyncset.done $0x0  }
0x2d: {  	[sflag:s21] =	ssyncadd.s32 $0xFFFFD800  }
0x2e: {  	[spmem:s8] =	stream.linear.scatter [tilespmem:s20], [sflag:$0x4], $0x2800, $0x38;
	[tilespmem:$0x1ED80] =	vst v63  }
0x2f: {  	_ =	swait.ge [sflag:s21], $0x2800  }
0x30: {  	[sflag:s21] =	ssyncset.done $0x0  }
0x31: {  	[sflag:s21] =	ssyncadd.s32 $0xFFFFD800  }
0x32: {  	[spmem:s9] =	stream.linear.scatter [tilespmem:s20], [sflag:$0x4], $0x2800, $0x38;
	[tilespmem:$0x1ED80] =	vst v63  }
0x33: {  	_ =	swait.ge [sflag:s21], $0x2800  }
0x34: {  	[sflag:s21] =	ssyncset.done $0x0  }
0x35: {  	[sflag:s21] =	ssyncadd.s32 $0xFFFFD800  }
0x36: {  	[spmem:s10] =	stream.linear.scatter [tilespmem:s20], [sflag:$0x4], $0x2800, $0x38;
	[tilespmem:$0x1ED80] =	vst v63  }
0x37: {  	_ =	swait.ge [sflag:s21], $0x2800  }
0x38: {  	[sflag:s21] =	ssyncset.done $0x0  }
0x39: {  	[sflag:s21] =	ssyncadd.s32 $0xFFFFD800  }
0x3a: {  	[spmem:s11] =	stream.linear.scatter [tilespmem:s20], [sflag:$0x4], $0x2800, $0x38;
	[tilespmem:$0x1ED80] =	vst v63  }
0x3b: {  	_ =	swait.ge [sflag:s21], $0x2800  }
0x3c: {  	[sflag:s21] =	ssyncset.done $0x0  }
0x3d: {  	[sflag:s21] =	ssyncadd.s32 $0xFFFFD800  }
0x3e: {  	[spmem:s12] =	stream.linear.scatter [tilespmem:s20], [sflag:$0x4], $0x2800, $0x38;
	[tilespmem:$0x1ED80] =	vst v63  }
0x3f: {  	_ =	swait.ge [sflag:s21], $0x2800  }
0x40: {  	[sflag:s21] =	ssyncset.done $0x0  }
0x41: {  	[sflag:s21] =	ssyncadd.s32 $0xFFFFD800  }
0x42: {  	[spmem:s13] =	stream.linear.scatter [tilespmem:s20], [sflag:$0x4], $0x2800, $0x38;
	[tilespmem:$0x1ED80] =	vst v63  }
0x43: {  	_ =	swait.ge [sflag:s21], $0x2800  }
0x44: {  	[sflag:s21] =	ssyncset.done $0x0  }
0x45: {  	[sflag:s21] =	ssyncadd.s32 $0xFFFFD800  }
0x46: {  	[tilespmem:$0x1E800] =	vst v1  }
0x47: {  	[tilespmem:$0x1E810] =	vst v1  }
0x48: {  	[tilespmem:$0x1E820] =	vst v1  }
0x49: {  	[tilespmem:$0x1E830] =	vst v1  }
0x4a: {  	[tilespmem:$0x1E840] =	vst v1  }
0x4b: {  	[tilespmem:$0x1E880] =	vst v0  }
0x4c: {  	[tilespmem:$0x1E890] =	vst v0  }
0x4d: {  	[tilespmem:$0x1E8A0] =	vst v0  }
0x4e: {  	[tilespmem:$0x1E8B0] =	vst v0  }
0x4f: {  	[tilespmem:$0x1E8C0] =	vst v0  }
0x50: {  	[tilespmem:$0x1E8D0] =	vst v0  }
0x51: {  	[tilespmem:$0x1E8E0] =	vst v0  }
0x52: {  	[tilespmem:$0x1E8F0] =	vst v0  }
0x53: {  	[tilespmem:$0x1E900] =	vst v0  }
0x54: {  	[tilespmem:$0x1E910] =	vst v0  }
0x55: {  	[tilespmem:$0x1E920] =	vst v0  }
0x56: {  	[tilespmem:$0x1E930] =	vst v0  }
0x57: {  	[tilespmem:$0x1E940] =	vst v0  }
0x58: {  	[tilespmem:$0x1E950] =	vst v0  }
0x59: {  	[tilespmem:$0x1E960] =	vst v0  }
0x5a: {  	[tilespmem:$0x1E970] =	vst v0  }
0x5b: {  	[tilespmem:$0x1E980] =	vst v0  }
0x5c: {  	[tilespmem:$0x1E990] =	vst v0  }
0x5d: {  	[tilespmem:$0x1E9A0] =	vst v0  }
0x5e: {  	[tilespmem:$0x1E9B0] =	vst v0  }
0x5f: {  	[tilespmem:$0x1E9C0] =	vst v0  }
0x60: {  	[tilespmem:$0x1E9D0] =	vst v0  }
0x61: {  	[tilespmem:$0x1E9E0] =	vst v0  }
0x62: {  	[tilespmem:$0x1E9F0] =	vst v0  }
0x63: {  	[tilespmem:$0x1EA00] =	vst v0  }
0x64: {  	[tilespmem:$0x1EA10] =	vst v0  }
0x65: {  	[tilespmem:$0x1EA20] =	vst v0  }
0x66: {  	[tilespmem:$0x1EA30] =	vst v0  }
0x67: {  	[tilespmem:$0x1EA40] =	vst v0  }
0x68: {  	[tilespmem:$0x1EA50] =	vst v0  }
0x69: {  	[tilespmem:$0x1EA60] =	vst v0  }
0x6a: {  	[tilespmem:$0x1EA70] =	vst v0  }
0x6b: {  	[tilespmem:$0x1EA80] =	vst v0  }
0x6c: {  	[tilespmem:$0x1EA90] =	vst v0  }
0x6d: {  	[tilespmem:$0x1EAA0] =	vst v0  }
0x6e: {  	[tilespmem:$0x1EAB0] =	vst v0  }
0x6f: {  	[tilespmem:$0x1EAC0] =	vst v0  }
0x70: {  	[tilespmem:$0x1EAD0] =	vst v0  }
0x71: {  	[tilespmem:$0x1EAE0] =	vst v0  }
0x72: {  	s22 =	simm.s32 $0x1E880;
	[tilespmem:$0x1EAF0] =	vst v0  }
0x73: {  	[spmem:s14] =	stream.linear.scatter [tilespmem:s22], [sflag:$0x4], $0x280, $0x38;
	[tilespmem:$0x1ED80] =	vst v63  }
0x74: {  	_ =	swait.ge [sflag:s21], $0x280  }
0x75: {  	[sflag:s21] =	ssyncset.done $0x0  }
0x76: {  	s23 =	simm.s32 $0x0;
	[sflag:s21] =	ssyncadd.s32 $0xFFFFFD80  }
0x77: {  	[tilespmem:s23], [sflag:$0x4] =	stream.linear.gather [hbm4b:s15+s23], $0x3E80, $0x38;
	[tilespmem:$0x1ED80] =	vst v63  }
0x78: {  	_ =	swait.ge [sflag:s21], $0x3E80  }
0x79: {  	[sflag:s21] =	ssyncset.done $0x0  }
0x7a: {  	s3 =	simm.s32 $0x4000;
	[sflag:s21] =	ssyncadd.s32 $0xFFFFC180  }
0x7b: {  	[tilespmem:s3], [sflag:$0x4] =	stream.linear.gather [hbm4b:s16+s23], $0x3E80, $0x38;
	[tilespmem:$0x1ED80] =	vst v63  }
0x7c: {  	_ =	swait.ge [sflag:s21], $0x3E80  }
0x7d: {  	[sflag:s21] =	ssyncset.done $0x0  }
0x7e: {  	[sflag:s21] =	ssyncadd.s32 $0xFFFFC180  }
0x7f: {  	s22 =	simm.s32 $0x0;
	[bflag:$0x0] =	sbarrier.arrive $0xFFFF  }
0x80: {  	[tilespmem:s20], [sflag:$0x1] =	stream.indirect.gather [hbm4b:s5+s24], $0x80, s22, s24, $0xb8;
	[tilespmem:$0x1ED80] =	vst v63  }
0x81: {  	_ =	swait.ge [sflag:s25], $0x2800  }
0x82: {  	[sflag:s25] =	ssyncset.done $0x0  }
0x83: {  	s23 =	simm.s32 $0x4000;
	[sflag:s25] =	ssyncadd.s32 $0xFFFFD800  }
0x84: {  	[spmem:s1] =	stream.indirect.scatter.add.f32 [tilespmem:s20], [sflag:$0x2], $0x80, s23, s24, $0xb8;
	[tilespmem:$0x1ED80] =	vst v63  }
0x85: {  	_ =	swait.ge [sflag:s26], $0x2800  }
0x86: {  	[sflag:s26] =	ssyncset.done $0x0  }
0x87: {  	[sflag:s26] =	ssyncadd.s32 $0xFFFFD800  }
0x88: {  	[spmem:s2] =	stream.indirect.scatter.add.f32 [tilespmem:s28], [sflag:$0x3], $0x1, s23, s24, $0xb8;
	[tilespmem:$0x1ED80] =	vst v63  }
0x89: {  	_ =	swait.ge [sflag:s29], $0x50  }
0x8a: {  	s0 =	simm.s32 $0x200;
	s3 =	simm.s32 $0x400;
	[sflag:s29] =	ssyncset.done $0x0  }
.LBB2_4:
0x8b: {  	s22 =	sshra.s32 s0, $0x2  }
0x8c: {  	[sflag:s29] =	ssyncadd.s32 $0xFFFFFFB0;
	s0 =	smov.u32 s3;
	s23 =	sadd.s32 $0x200, s3  }
0x8d: {  	[tilespmem:s20], [sflag:$0x1] =	stream.indirect.gather [hbm4b:s5+s24], $0x80, s22, s24, $0xb8;
	[tilespmem:$0x1ED80] =	vst v63  }
0x8e: {  	p0 =	sne.s32 s3, $0xF800;
	_ =	swait.ge [sflag:s25], $0x2800  }
0x8f: {  	[sflag:s25] =	ssyncset.done $0x0  }
0x90: {  	s3 =	sadd.s32 $0x4000, s22;
	[sflag:s25] =	ssyncadd.s32 $0xFFFFD800  }
0x91: {  	[spmem:s1] =	stream.indirect.scatter.add.f32 [tilespmem:s20], [sflag:$0x2], $0x80, s3, s24, $0xb8;
	[tilespmem:$0x1ED80] =	vst v63  }
0x92: {  	_ =	swait.ge [sflag:s26], $0x2800  }
.Ltmp1:
0x93: {  	[sflag:s26] =	ssyncset.done $0x0;
	(pc) =	sbr.rel @p0 .LBB2_4-.Ltmp1, $4  }
0x94: {  	[sflag:s26] =	ssyncadd.s32 $0xFFFFD800  }
0x95: {  	[spmem:s2] =	stream.indirect.scatter.add.f32 [tilespmem:s28], [sflag:$0x3], $0x1, s3, s24, $0xb8;
	[tilespmem:$0x1ED80] =	vst v63  }
0x96: {  	_ =	swait.ge [sflag:s29], $0x50  }
0x97: {  	s3 =	smov.u32 s23;
	[sflag:s29] =	ssyncset.done $0x0  }
0x98: {  	s0 =	sshra.s32 s0, $0x2;
	[sflag:s29] =	ssyncadd.s32 $0xFFFFFFB0  }
0x99: {  	[tilespmem:s20], [sflag:$0x1] =	stream.indirect.gather [hbm4b:s5+s24], $0x80, s0, s24, $0xb8;
	[tilespmem:$0x1ED80] =	vst v63  }
0x9a: {  	_ =	swait.ge [sflag:s25], $0x2800  }
0x9b: {  	[sflag:s25] =	ssyncset.done $0x0  }
0x9c: {  	s0 =	sadd.s32 $0x4000, s0;
	[sflag:s25] =	ssyncadd.s32 $0xFFFFD800  }
0x9d: {  	[spmem:s1] =	stream.indirect.scatter.add.f32 [tilespmem:s20], [sflag:$0x2], $0x80, s0, s24, $0xb8;
	[tilespmem:$0x1ED80] =	vst v63  }
0x9e: {  	_ =	swait.ge [sflag:s26], $0x2800  }
0x9f: {  	[sflag:s26] =	ssyncset.done $0x0  }
0xa0: {  	[sflag:s26] =	ssyncadd.s32 $0xFFFFD800  }
0xa1: {  	[spmem:s2] =	stream.indirect.scatter.add.f32 [tilespmem:s28], [sflag:$0x3], $0x1, s0, s24, $0xb8;
	[tilespmem:$0x1ED80] =	vst v63  }
0xa2: {  	_ =	swait.ge [sflag:s29], $0x50  }
0xa3: {  	s22 =	stileid.u32;
	[sflag:s29] =	ssyncset.done $0x0  }
0xa4: {  	s0 =	sshll.u32 s22, $0x6;
	[sflag:s29] =	ssyncadd.s32 $0xFFFFFFB0  }
0xa5: {  	s3 =	sshrl.u32 s6, $0x3;
	s0 =	sor.u32 $0x1C04, s0;
	[bflag:$0x0] =	sbarrier.arrive $0xFFFF  }
0xa6: {  	[hbm:s17], [sflag:s0] =	dma.local [spmem:s3], $0x2800  }
0xa7: {  	s4 =	sadd.s32 $0x1, s4;
	_ =	swait.ge [sflag:s21], $0x2800  }
0xa8: {  	p0 =	sne.s32 s4, s19;
	[sflag:s21] =	ssyncset.done $0x0  }
.Ltmp2:
0xa9: {  	s23 =	sshrl.u32 s14, $0x3;
	[sflag:s21] =	ssyncadd.s32 $0xFFFFD800;
	(pc) =	sbr.rel @p0 .LBB2_1-.Ltmp2, $4  }
0xaa: {  	[hbm:s18@s30], [sflag:s0] =	dma.strided [spmem:s23@s31], $0x50, s25, $0x10   }
0xab: {  	_ =	swait.ge [sflag:s21], $0x50  }
0xac: {  	[sflag:s21] =	ssyncset.done $0x0  }
0xad: {  	[sflag:s21] =	ssyncadd.s32 $0xFFFFFFB0  }
0xae: {  	_ =	sfence.sel $0x180000  }
0xaf: {  	[bflag:$0x0] =	sbarrier.arrive $0xFFFF  }
0xb0: {  	_ =	strace $0x90000047  }
0xb1: {  	s0 =	stileid.u32;
	[bflag:$0x2] =	sbarrier.arrive $0xFFFF  }
0xb2: {  	p0 =	sne.s32 s0, $0x0;
	s0 =	rddreg [dreg:$0x3]  }
0xb3: {  	s0 =	sadd.s32 @!p0 $0x100000, s0  }
0xb4: {  	[sflag:s0] =	ssyncadd.tile.s32 @!p0 $0x1;
	_ =	shalt  }
.Lfunc_end2:
_tile_overlayer_lowered:
.L_overlay_start_2:
0xb5: {  	(tag) =	ssettag $0x2  }
0xb6: {  	s0 =	rddreg [dreg:$0x0];
	s2 =	stileid.u32  }
0xb7: {  	s1 =	rddreg [dreg:$0x1];
	p0 =	sne.s32 s2, $0x0  }
0xb8: {  	s3 =	rddreg [dreg:$0x2];
	[bflag:$0x3] =	sbarrier.arrive $0xFFFF;
	s2 =	simm.s32 @!p0 $0x1C04  }
0xb9: {  	[timem:s3], [sflag:s2] =	dma.local @!p0 [hbm:s0], s1  }
0xba: {  	s0 =	simm.s32 @!p0 $0x4  }
0xbb: {  	_ =	swait.ge @!p0 [sflag:s0], s1  }
0xbc: {  	s1 =	ssub.s32 @!p0 $0x0, s1;
	[sflag:s0] =	ssyncset.done @!p0 $0x0  }
0xbd: {  	[sflag:s0] =	ssyncadd.s32 @!p0 s1  }
0xbe: {  	[bflag:$0x3] =	sbarrier.arrive $0xFFFF  }
0xbf: {  	_ =	shalt  }

</sc_bundles>
